<compile_context>
chip_gen: v7x
topology: tpu7x:2x2x1
jax: 0.10.2.dev20260603
libtpu: 0.0.44.dev20260713+nightly
codegen_flags: <defaults>
</compile_context>

<pallas_src>
import functools

import jax
import jax.numpy as jnp
from jax import lax
from jax.experimental import pallas as pl
from jax.experimental.pallas import tpu as pltpu
from jax.experimental.pallas import tpu_sc as plsc

_E = 64
_T = 32768
_L = 16
_NC = 2
_NS = 16
_NW = _NC * _NS
_TPW = _T // _NW
_CHUNK = 256
_NCHUNK = _TPW // _CHUNK


def _sc_partials(logits):
    mesh = plsc.VectorSubcoreMesh(
        core_axis_name="c", subcore_axis_name="s",
        num_cores=_NC, num_subcores=_NS)

    @functools.partial(
        pl.kernel,
        out_type=jax.ShapeDtypeStruct((_NW, _E), jnp.float32),
        mesh=mesh,
        compiler_params=pltpu.CompilerParams(needs_layout_passes=False),
        scratch_types=[
            pltpu.VMEM((_CHUNK, _E), jnp.float32),
            pltpu.VMEM((_CHUNK, _E), jnp.float32),
            pltpu.VMEM((_E,), jnp.float32),
            pltpu.SemaphoreType.DMA,
            pltpu.SemaphoreType.DMA,
        ],
    )
    def k(logits_hbm, out_hbm, buf0, buf1, accv, sem0, sem1):
        cid = lax.axis_index("c")
        sid = lax.axis_index("s")
        wid = sid * _NC + cid
        base = wid * _TPW
        bufs = (buf0, buf1)
        sems = (sem0, sem1)

        zero = jnp.zeros((_L,), jnp.float32)

        def chunk_sum(buf, carry):
            def body(t, carry):
                a0, a1, a2, a3 = carry
                e0 = jnp.exp(buf[t, pl.ds(0, _L)])
                e1 = jnp.exp(buf[t, pl.ds(_L, _L)])
                e2 = jnp.exp(buf[t, pl.ds(2 * _L, _L)])
                e3 = jnp.exp(buf[t, pl.ds(3 * _L, _L)])
                s = jnp.sum((e0 + e1) + (e2 + e3))
                r = 1.0 / lax.broadcast(s, (_L,))
                return (a0 + e0 * r, a1 + e1 * r, a2 + e2 * r, a3 + e3 * r)

            return lax.fori_loop(0, _CHUNK, body, carry)

        cps = [None] * _NCHUNK
        cps[0] = pltpu.async_copy(
            logits_hbm.at[pl.ds(base, _CHUNK)], buf0, sem0)
        carry = (zero,) * 4
        for i in range(_NCHUNK):
            if i + 1 < _NCHUNK:
                cps[i + 1] = pltpu.async_copy(
                    logits_hbm.at[pl.ds(base + (i + 1) * _CHUNK, _CHUNK)],
                    bufs[(i + 1) % 2], sems[(i + 1) % 2])
            cps[i].wait()
            carry = chunk_sum(bufs[i % 2], carry)
        a0, a1, a2, a3 = carry
        accv[pl.ds(0, _L)] = a0
        accv[pl.ds(_L, _L)] = a1
        accv[pl.ds(2 * _L, _L)] = a2
        accv[pl.ds(3 * _L, _L)] = a3
        pltpu.sync_copy(accv, out_hbm.at[wid])

    return k(logits)


def _finish(partials, num_tokens_2d):
    def fk(p_ref, nt_ref, o_ref):
        p = p_ref[...]
        s = jnp.sum(p, axis=0, keepdims=True)
        nt = nt_ref[...].astype(jnp.float32)
        f = nt / jnp.sum(nt)
        balance = _E * jnp.sum((s / _T) * f)
        m = jnp.sum(s) / _E
        var = jnp.sum((s - m) ** 2) / (_E - 1)
        o_ref[...] = (balance + var / (m * m)).reshape(1, 1)

    return pl.pallas_call(
        fk,
        out_shape=jax.ShapeDtypeStruct((1, 1), jnp.float32),
    )(partials, num_tokens_2d)


def kernel(router_logits, num_tokens):
    partials = _sc_partials(router_logits)
    out = _finish(partials, num_tokens.reshape(1, _E))
    return out[0, 0]

# --- scband reference (transcript-rebuilt; emitter-appended) ---
"""Pipeline reference for scband-prompt-mo-ebase-21655225106528 (READ-ONLY COPY).

The authoritative reference and input builder live on the scoring server;
editing this copy changes nothing except your own understanding.
"""

import jax, jax.numpy as jnp
import numpy as np

NUM_EXPERTS = 64
NUM_TOKENS = 32768

def setup_inputs(seed: int = 0) -> dict:
    key = jax.random.key(seed)
    k1, k2 = jax.random.split(key)
    router_logits = jax.random.normal(k1, (NUM_TOKENS, NUM_EXPERTS), dtype=jnp.float32)
    num_tokens = jax.random.randint(k2, (NUM_EXPERTS,), 1, 1024, dtype=jnp.int32)
    return {"router_logits": router_logits, "num_tokens": num_tokens}

def reference(router_logits, num_tokens):
    # prob_gate: softmax over experts (standard usage of PromptMoEBase helpers)
    prob_gate = jax.nn.softmax(router_logits, axis=-1)
    # _balancing_loss
    P = prob_gate.mean(axis=0)
    temp = num_tokens.astype(jnp.float32)
    f = temp / jnp.sum(temp, axis=0, keepdims=True)
    balance_loss = NUM_EXPERTS * jnp.sum(P * f)
    # _importance_auxiliary_loss
    importance_per_expert = jnp.sum(prob_gate, axis=0)
    std_importance = jnp.std(importance_per_expert, ddof=1)  # torch.std default is unbiased
    mean_importance = jnp.mean(importance_per_expert)
    importance_loss = (std_importance / mean_importance) ** 2
    return balance_loss + importance_loss

if __name__ == "__main__":
    import jax
    _d = setup_inputs()
    print(jax.jit(kernel)(*tuple(_d.values())))

</pallas_src>

<mosaic_0001>
#map = affine_map<(d0, d1) -> (0, 0)>
module attributes {stable_mosaic.version = 14 : i64} {
  func.func @k(%arg0: i32, %arg1: i32, %arg2: memref<32768x64xf32, #tpu.memory_space<hbm>>, %arg3: memref<32x64xf32, #tpu.memory_space<hbm>>, %arg4: memref<256x64xf32, #tpu.memory_space<vmem>>, %arg5: memref<256x64xf32, #tpu.memory_space<vmem>>, %arg6: memref<64xf32, #tpu.memory_space<vmem>>, %arg7: memref<!tpu.dma_semaphore, #tpu.memory_space<semaphore_mem>>, %arg8: memref<!tpu.dma_semaphore, #tpu.memory_space<semaphore_mem>>) attributes {dimension_semantics = [#tpu.dimension_semantics<core_parallel>, #tpu.dimension_semantics<subcore_parallel>], iteration_bounds = array<i64: 2, 16>, scalar_prefetch = 0 : i64, scratch_operands = 5 : i64, tpu.core_type = #tpu.core_type<sc_vector_subcore>, window_params = [{transform_indices = #map}, {transform_indices = #map}]} {
    %mul3A = arith.constant 2 : i32
    %mul3A_0 = arith.muli %arg1, %mul3A : i32
    %add3A = arith.addi %mul3A_0, %arg0 : i32
    %mul3A_1 = arith.constant 1024 : i32
    %mul3A_2 = arith.muli %add3A, %mul3A_1 : i32
    %broadcast_in_dim3A = arith.constant 0.000000e+00 : f32
    %broadcast_in_dim3A_3 = vector.broadcast %broadcast_in_dim3A : f32 to vector<16xf32>
    %dma_start3A = arith.constant 0 : i32
    %dma_start3A_4 = tpu.memref_slice %arg2[%mul3A_2, %dma_start3A] : memref<32768x64xf32, #tpu.memory_space<hbm>> -> memref<256x64xf32, #tpu.memory_space<hbm>>
    %dma_start3A_5 = arith.constant 0 : i32
    %dma_start3A_6 = tpu.memref_slice %arg2[%mul3A_2, %dma_start3A_5] : memref<32768x64xf32, #tpu.memory_space<hbm>> -> memref<256x64xf32, #tpu.memory_space<hbm>>
    tpu.enqueue_dma source(%dma_start3A_6 : memref<256x64xf32, #tpu.memory_space<hbm>>) target(%arg4 : memref<256x64xf32, #tpu.memory_space<vmem>>) target_semaphore(%arg7 : memref<!tpu.dma_semaphore, #tpu.memory_space<semaphore_mem>>)
    %add3A_7 = arith.constant 256 : i32
    %add3A_8 = arith.addi %mul3A_2, %add3A_7 : i32
    %dma_start3A_9 = arith.constant 0 : i32
    %dma_start3A_10 = tpu.memref_slice %arg2[%add3A_8, %dma_start3A_9] : memref<32768x64xf32, #tpu.memory_space<hbm>> -> memref<256x64xf32, #tpu.memory_space<hbm>>
    %dma_start3A_11 = arith.constant 0 : i32
    %dma_start3A_12 = tpu.memref_slice %arg2[%add3A_8, %dma_start3A_11] : memref<32768x64xf32, #tpu.memory_space<hbm>> -> memref<256x64xf32, #tpu.memory_space<hbm>>
    tpu.enqueue_dma source(%dma_start3A_12 : memref<256x64xf32, #tpu.memory_space<hbm>>) target(%arg5 : memref<256x64xf32, #tpu.memory_space<vmem>>) target_semaphore(%arg8 : memref<!tpu.dma_semaphore, #tpu.memory_space<semaphore_mem>>)
    %dma_wait3A = arith.constant 0 : i32
    %dma_wait3A_13 = tpu.memref_slice %arg2[%mul3A_2, %dma_wait3A] : memref<32768x64xf32, #tpu.memory_space<hbm>> -> memref<256x64xf32, #tpu.memory_space<hbm>>
    %dma_wait3A_14 = arith.constant 0 : i32
    %dma_wait3A_15 = tpu.memref_slice %arg2[%mul3A_2, %dma_wait3A_14] : memref<32768x64xf32, #tpu.memory_space<hbm>> -> memref<256x64xf32, #tpu.memory_space<hbm>>
    tpu.wait_dma2 semaphore(%arg7 : memref<!tpu.dma_semaphore, #tpu.memory_space<semaphore_mem>>) src(%dma_wait3A_15 : memref<256x64xf32, #tpu.memory_space<hbm>>) dst(%arg4 : memref<256x64xf32, #tpu.memory_space<vmem>>)
    %scan3A = arith.constant 0 : i32
    %scan3A_16 = arith.constant 256 : i32
    %scan3A_17 = arith.addi %scan3A, %scan3A_16 : i32
    %scan3A_18 = arith.constant 1 : i32
    %scan3A_19:4 = scf.for %scan3A_70 = %scan3A to %scan3A_17 step %scan3A_18 iter_args(%scan3A_71 = %broadcast_in_dim3A_3, %scan3A_72 = %broadcast_in_dim3A_3, %scan3A_73 = %broadcast_in_dim3A_3, %scan3A_74 = %broadcast_in_dim3A_3) -> (vector<16xf32>, vector<16xf32>, vector<16xf32>, vector<16xf32>)  : i32 {
      %get3A = arith.index_cast %scan3A_70 : i32 to index
      %get3A_75 = arith.constant 0 : index
      %get3A_76 = tpu.vector_load %arg4[%get3A, %get3A_75] {strides = array<i32>} : memref<256x64xf32, #tpu.memory_space<vmem>>, vector<16xf32>,
      %exp3A = math.exp %get3A_76 : vector<16xf32>
      %get3A_77 = arith.index_cast %scan3A_70 : i32 to index
      %get3A_78 = arith.constant 16 : index
      %get3A_79 = tpu.vector_load %arg4[%get3A_77, %get3A_78] {strides = array<i32>} : memref<256x64xf32, #tpu.memory_space<vmem>>, vector<16xf32>,
      %exp3A_80 = math.exp %get3A_79 : vector<16xf32>
      %get3A_81 = arith.index_cast %scan3A_70 : i32 to index
      %get3A_82 = arith.constant 32 : index
      %get3A_83 = tpu.vector_load %arg4[%get3A_81, %get3A_82] {strides = array<i32>} : memref<256x64xf32, #tpu.memory_space<vmem>>, vector<16xf32>,
      %exp3A_84 = math.exp %get3A_83 : vector<16xf32>
      %get3A_85 = arith.index_cast %scan3A_70 : i32 to index
      %get3A_86 = arith.constant 48 : index
      %get3A_87 = tpu.vector_load %arg4[%get3A_85, %get3A_86] {strides = array<i32>} : memref<256x64xf32, #tpu.memory_space<vmem>>, vector<16xf32>,
      %exp3A_88 = math.exp %get3A_87 : vector<16xf32>
      %add3A_89 = arith.addf %exp3A, %exp3A_80 : vector<16xf32>
      %add3A_90 = arith.addf %exp3A_84, %exp3A_88 : vector<16xf32>
      %add3A_91 = arith.addf %add3A_89, %add3A_90 : vector<16xf32>
      %reduce_sum3A = arith.constant true
      %reduce_sum3A_92 = vector.broadcast %reduce_sum3A : i1 to vector<16xi1>
      %reduce_sum3A_93 = tpu.scan <sum>, %add3A_91 masked %reduce_sum3A_92 : vector<16xf32>, vector<16xi1> -> vector<16xf32>
      %reduce_sum3A_94 = vector.extract %reduce_sum3A_93[15] : f32 from vector<16xf32>
      %broadcast_in_dim3A_95 = vector.broadcast %reduce_sum3A_94 : f32 to vector<16xf32>
      %div3A = arith.constant 1.000000e+00 : f32
      %div3A_96 = vector.broadcast %div3A : f32 to vector<16xf32>
      %div3A_97 = arith.divf %div3A_96, %broadcast_in_dim3A_95 : vector<16xf32>
      %mul3A_98 = arith.mulf %exp3A, %div3A_97 : vector<16xf32>
      %add3A_99 = arith.addf %scan3A_71, %mul3A_98 : vector<16xf32>
      %mul3A_100 = arith.mulf %exp3A_80, %div3A_97 : vector<16xf32>
      %add3A_101 = arith.addf %scan3A_72, %mul3A_100 : vector<16xf32>
      %mul3A_102 = arith.mulf %exp3A_84, %div3A_97 : vector<16xf32>
      %add3A_103 = arith.addf %scan3A_73, %mul3A_102 : vector<16xf32>
      %mul3A_104 = arith.mulf %exp3A_88, %div3A_97 : vector<16xf32>
      %add3A_105 = arith.addf %scan3A_74, %mul3A_104 : vector<16xf32>
      scf.yield %add3A_99, %add3A_101, %add3A_103, %add3A_105 : vector<16xf32>, vector<16xf32>, vector<16xf32>, vector<16xf32>
    }
    %scan3A_20 = arith.constant 256 : i32
    %add3A_21 = arith.constant 512 : i32
    %add3A_22 = arith.addi %mul3A_2, %add3A_21 : i32
    %dma_start3A_23 = arith.constant 0 : i32
    %dma_start3A_24 = tpu.memref_slice %arg2[%add3A_22, %dma_start3A_23] : memref<32768x64xf32, #tpu.memory_space<hbm>> -> memref<256x64xf32, #tpu.memory_space<hbm>>
    %dma_start3A_25 = arith.constant 0 : i32
    %dma_start3A_26 = tpu.memref_slice %arg2[%add3A_22, %dma_start3A_25] : memref<32768x64xf32, #tpu.memory_space<hbm>> -> memref<256x64xf32, #tpu.memory_space<hbm>>
    tpu.enqueue_dma source(%dma_start3A_26 : memref<256x64xf32, #tpu.memory_space<hbm>>) target(%arg4 : memref<256x64xf32, #tpu.memory_space<vmem>>) target_semaphore(%arg7 : memref<!tpu.dma_semaphore, #tpu.memory_space<semaphore_mem>>)
    %dma_wait3A_27 = arith.constant 0 : i32
    %dma_wait3A_28 = tpu.memref_slice %arg2[%add3A_8, %dma_wait3A_27] : memref<32768x64xf32, #tpu.memory_space<hbm>> -> memref<256x64xf32, #tpu.memory_space<hbm>>
    %dma_wait3A_29 = arith.constant 0 : i32
    %dma_wait3A_30 = tpu.memref_slice %arg2[%add3A_8, %dma_wait3A_29] : memref<32768x64xf32, #tpu.memory_space<hbm>> -> memref<256x64xf32, #tpu.memory_space<hbm>>
    tpu.wait_dma2 semaphore(%arg8 : memref<!tpu.dma_semaphore, #tpu.memory_space<semaphore_mem>>) src(%dma_wait3A_30 : memref<256x64xf32, #tpu.memory_space<hbm>>) dst(%arg5 : memref<256x64xf32, #tpu.memory_space<vmem>>)
    %scan3A_31 = arith.constant 0 : i32
    %scan3A_32 = arith.constant 256 : i32
    %scan3A_33 = arith.addi %scan3A_31, %scan3A_32 : i32
    %scan3A_34 = arith.constant 1 : i32
    %scan3A_35:4 = scf.for %scan3A_70 = %scan3A_31 to %scan3A_33 step %scan3A_34 iter_args(%scan3A_71 = %scan3A_19#0, %scan3A_72 = %scan3A_19#1, %scan3A_73 = %scan3A_19#2, %scan3A_74 = %scan3A_19#3) -> (vector<16xf32>, vector<16xf32>, vector<16xf32>, vector<16xf32>)  : i32 {
      %get3A = arith.index_cast %scan3A_70 : i32 to index
      %get3A_75 = arith.constant 0 : index
      %get3A_76 = tpu.vector_load %arg5[%get3A, %get3A_75] {strides = array<i32>} : memref<256x64xf32, #tpu.memory_space<vmem>>, vector<16xf32>,
      %exp3A = math.exp %get3A_76 : vector<16xf32>
      %get3A_77 = arith.index_cast %scan3A_70 : i32 to index
      %get3A_78 = arith.constant 16 : index
      %get3A_79 = tpu.vector_load %arg5[%get3A_77, %get3A_78] {strides = array<i32>} : memref<256x64xf32, #tpu.memory_space<vmem>>, vector<16xf32>,
      %exp3A_80 = math.exp %get3A_79 : vector<16xf32>
      %get3A_81 = arith.index_cast %scan3A_70 : i32 to index
      %get3A_82 = arith.constant 32 : index
      %get3A_83 = tpu.vector_load %arg5[%get3A_81, %get3A_82] {strides = array<i32>} : memref<256x64xf32, #tpu.memory_space<vmem>>, vector<16xf32>,
      %exp3A_84 = math.exp %get3A_83 : vector<16xf32>
      %get3A_85 = arith.index_cast %scan3A_70 : i32 to index
      %get3A_86 = arith.constant 48 : index
      %get3A_87 = tpu.vector_load %arg5[%get3A_85, %get3A_86] {strides = array<i32>} : memref<256x64xf32, #tpu.memory_space<vmem>>, vector<16xf32>,
      %exp3A_88 = math.exp %get3A_87 : vector<16xf32>
      %add3A_89 = arith.addf %exp3A, %exp3A_80 : vector<16xf32>
      %add3A_90 = arith.addf %exp3A_84, %exp3A_88 : vector<16xf32>
      %add3A_91 = arith.addf %add3A_89, %add3A_90 : vector<16xf32>
      %reduce_sum3A = arith.constant true
      %reduce_sum3A_92 = vector.broadcast %reduce_sum3A : i1 to vector<16xi1>
      %reduce_sum3A_93 = tpu.scan <sum>, %add3A_91 masked %reduce_sum3A_92 : vector<16xf32>, vector<16xi1> -> vector<16xf32>
      %reduce_sum3A_94 = vector.extract %reduce_sum3A_93[15] : f32 from vector<16xf32>
      %broadcast_in_dim3A_95 = vector.broadcast %reduce_sum3A_94 : f32 to vector<16xf32>
      %div3A = arith.constant 1.000000e+00 : f32
      %div3A_96 = vector.broadcast %div3A : f32 to vector<16xf32>
      %div3A_97 = arith.divf %div3A_96, %broadcast_in_dim3A_95 : vector<16xf32>
      %mul3A_98 = arith.mulf %exp3A, %div3A_97 : vector<16xf32>
      %add3A_99 = arith.addf %scan3A_71, %mul3A_98 : vector<16xf32>
      %mul3A_100 = arith.mulf %exp3A_80, %div3A_97 : vector<16xf32>
      %add3A_101 = arith.addf %scan3A_72, %mul3A_100 : vector<16xf32>
      %mul3A_102 = arith.mulf %exp3A_84, %div3A_97 : vector<16xf32>
      %add3A_103 = arith.addf %scan3A_73, %mul3A_102 : vector<16xf32>
      %mul3A_104 = arith.mulf %exp3A_88, %div3A_97 : vector<16xf32>
      %add3A_105 = arith.addf %scan3A_74, %mul3A_104 : vector<16xf32>
      scf.yield %add3A_99, %add3A_101, %add3A_103, %add3A_105 : vector<16xf32>, vector<16xf32>, vector<16xf32>, vector<16xf32>
    }
    %scan3A_36 = arith.constant 256 : i32
    %add3A_37 = arith.constant 768 : i32
    %add3A_38 = arith.addi %mul3A_2, %add3A_37 : i32
    %dma_start3A_39 = arith.constant 0 : i32
    %dma_start3A_40 = tpu.memref_slice %arg2[%add3A_38, %dma_start3A_39] : memref<32768x64xf32, #tpu.memory_space<hbm>> -> memref<256x64xf32, #tpu.memory_space<hbm>>
    %dma_start3A_41 = arith.constant 0 : i32
    %dma_start3A_42 = tpu.memref_slice %arg2[%add3A_38, %dma_start3A_41] : memref<32768x64xf32, #tpu.memory_space<hbm>> -> memref<256x64xf32, #tpu.memory_space<hbm>>
    tpu.enqueue_dma source(%dma_start3A_42 : memref<256x64xf32, #tpu.memory_space<hbm>>) target(%arg5 : memref<256x64xf32, #tpu.memory_space<vmem>>) target_semaphore(%arg8 : memref<!tpu.dma_semaphore, #tpu.memory_space<semaphore_mem>>)
    %dma_wait3A_43 = arith.constant 0 : i32
    %dma_wait3A_44 = tpu.memref_slice %arg2[%add3A_22, %dma_wait3A_43] : memref<32768x64xf32, #tpu.memory_space<hbm>> -> memref<256x64xf32, #tpu.memory_space<hbm>>
    %dma_wait3A_45 = arith.constant 0 : i32
    %dma_wait3A_46 = tpu.memref_slice %arg2[%add3A_22, %dma_wait3A_45] : memref<32768x64xf32, #tpu.memory_space<hbm>> -> memref<256x64xf32, #tpu.memory_space<hbm>>
    tpu.wait_dma2 semaphore(%arg7 : memref<!tpu.dma_semaphore, #tpu.memory_space<semaphore_mem>>) src(%dma_wait3A_46 : memref<256x64xf32, #tpu.memory_space<hbm>>) dst(%arg4 : memref<256x64xf32, #tpu.memory_space<vmem>>)
    %scan3A_47 = arith.constant 0 : i32
    %scan3A_48 = arith.constant 256 : i32
    %scan3A_49 = arith.addi %scan3A_47, %scan3A_48 : i32
    %scan3A_50 = arith.constant 1 : i32
    %scan3A_51:4 = scf.for %scan3A_70 = %scan3A_47 to %scan3A_49 step %scan3A_50 iter_args(%scan3A_71 = %scan3A_35#0, %scan3A_72 = %scan3A_35#1, %scan3A_73 = %scan3A_35#2, %scan3A_74 = %scan3A_35#3) -> (vector<16xf32>, vector<16xf32>, vector<16xf32>, vector<16xf32>)  : i32 {
      %get3A = arith.index_cast %scan3A_70 : i32 to index
      %get3A_75 = arith.constant 0 : index
      %get3A_76 = tpu.vector_load %arg4[%get3A, %get3A_75] {strides = array<i32>} : memref<256x64xf32, #tpu.memory_space<vmem>>, vector<16xf32>,
      %exp3A = math.exp %get3A_76 : vector<16xf32>
      %get3A_77 = arith.index_cast %scan3A_70 : i32 to index
      %get3A_78 = arith.constant 16 : index
      %get3A_79 = tpu.vector_load %arg4[%get3A_77, %get3A_78] {strides = array<i32>} : memref<256x64xf32, #tpu.memory_space<vmem>>, vector<16xf32>,
      %exp3A_80 = math.exp %get3A_79 : vector<16xf32>
      %get3A_81 = arith.index_cast %scan3A_70 : i32 to index
      %get3A_82 = arith.constant 32 : index
      %get3A_83 = tpu.vector_load %arg4[%get3A_81, %get3A_82] {strides = array<i32>} : memref<256x64xf32, #tpu.memory_space<vmem>>, vector<16xf32>,
      %exp3A_84 = math.exp %get3A_83 : vector<16xf32>
      %get3A_85 = arith.index_cast %scan3A_70 : i32 to index
      %get3A_86 = arith.constant 48 : index
      %get3A_87 = tpu.vector_load %arg4[%get3A_85, %get3A_86] {strides = array<i32>} : memref<256x64xf32, #tpu.memory_space<vmem>>, vector<16xf32>,
      %exp3A_88 = math.exp %get3A_87 : vector<16xf32>
      %add3A_89 = arith.addf %exp3A, %exp3A_80 : vector<16xf32>
      %add3A_90 = arith.addf %exp3A_84, %exp3A_88 : vector<16xf32>
      %add3A_91 = arith.addf %add3A_89, %add3A_90 : vector<16xf32>
      %reduce_sum3A = arith.constant true
      %reduce_sum3A_92 = vector.broadcast %reduce_sum3A : i1 to vector<16xi1>
      %reduce_sum3A_93 = tpu.scan <sum>, %add3A_91 masked %reduce_sum3A_92 : vector<16xf32>, vector<16xi1> -> vector<16xf32>
      %reduce_sum3A_94 = vector.extract %reduce_sum3A_93[15] : f32 from vector<16xf32>
      %broadcast_in_dim3A_95 = vector.broadcast %reduce_sum3A_94 : f32 to vector<16xf32>
      %div3A = arith.constant 1.000000e+00 : f32
      %div3A_96 = vector.broadcast %div3A : f32 to vector<16xf32>
      %div3A_97 = arith.divf %div3A_96, %broadcast_in_dim3A_95 : vector<16xf32>
      %mul3A_98 = arith.mulf %exp3A, %div3A_97 : vector<16xf32>
      %add3A_99 = arith.addf %scan3A_71, %mul3A_98 : vector<16xf32>
      %mul3A_100 = arith.mulf %exp3A_80, %div3A_97 : vector<16xf32>
      %add3A_101 = arith.addf %scan3A_72, %mul3A_100 : vector<16xf32>
      %mul3A_102 = arith.mulf %exp3A_84, %div3A_97 : vector<16xf32>
      %add3A_103 = arith.addf %scan3A_73, %mul3A_102 : vector<16xf32>
      %mul3A_104 = arith.mulf %exp3A_88, %div3A_97 : vector<16xf32>
      %add3A_105 = arith.addf %scan3A_74, %mul3A_104 : vector<16xf32>
      scf.yield %add3A_99, %add3A_101, %add3A_103, %add3A_105 : vector<16xf32>, vector<16xf32>, vector<16xf32>, vector<16xf32>
    }
    %scan3A_52 = arith.constant 256 : i32
    %dma_wait3A_53 = arith.constant 0 : i32
    %dma_wait3A_54 = tpu.memref_slice %arg2[%add3A_38, %dma_wait3A_53] : memref<32768x64xf32, #tpu.memory_space<hbm>> -> memref<256x64xf32, #tpu.memory_space<hbm>>
    %dma_wait3A_55 = arith.constant 0 : i32
    %dma_wait3A_56 = tpu.memref_slice %arg2[%add3A_38, %dma_wait3A_55] : memref<32768x64xf32, #tpu.memory_space<hbm>> -> memref<256x64xf32, #tpu.memory_space<hbm>>
    tpu.wait_dma2 semaphore(%arg8 : memref<!tpu.dma_semaphore, #tpu.memory_space<semaphore_mem>>) src(%dma_wait3A_56 : memref<256x64xf32, #tpu.memory_space<hbm>>) dst(%arg5 : memref<256x64xf32, #tpu.memory_space<vmem>>)
    %scan3A_57 = arith.constant 0 : i32
    %scan3A_58 = arith.constant 256 : i32
    %scan3A_59 = arith.addi %scan3A_57, %scan3A_58 : i32
    %scan3A_60 = arith.constant 1 : i32
    %scan3A_61:4 = scf.for %scan3A_70 = %scan3A_57 to %scan3A_59 step %scan3A_60 iter_args(%scan3A_71 = %scan3A_51#0, %scan3A_72 = %scan3A_51#1, %scan3A_73 = %scan3A_51#2, %scan3A_74 = %scan3A_51#3) -> (vector<16xf32>, vector<16xf32>, vector<16xf32>, vector<16xf32>)  : i32 {
      %get3A = arith.index_cast %scan3A_70 : i32 to index
      %get3A_75 = arith.constant 0 : index
      %get3A_76 = tpu.vector_load %arg5[%get3A, %get3A_75] {strides = array<i32>} : memref<256x64xf32, #tpu.memory_space<vmem>>, vector<16xf32>,
      %exp3A = math.exp %get3A_76 : vector<16xf32>
      %get3A_77 = arith.index_cast %scan3A_70 : i32 to index
      %get3A_78 = arith.constant 16 : index
      %get3A_79 = tpu.vector_load %arg5[%get3A_77, %get3A_78] {strides = array<i32>} : memref<256x64xf32, #tpu.memory_space<vmem>>, vector<16xf32>,
      %exp3A_80 = math.exp %get3A_79 : vector<16xf32>
      %get3A_81 = arith.index_cast %scan3A_70 : i32 to index
      %get3A_82 = arith.constant 32 : index
      %get3A_83 = tpu.vector_load %arg5[%get3A_81, %get3A_82] {strides = array<i32>} : memref<256x64xf32, #tpu.memory_space<vmem>>, vector<16xf32>,
      %exp3A_84 = math.exp %get3A_83 : vector<16xf32>
      %get3A_85 = arith.index_cast %scan3A_70 : i32 to index
      %get3A_86 = arith.constant 48 : index
      %get3A_87 = tpu.vector_load %arg5[%get3A_85, %get3A_86] {strides = array<i32>} : memref<256x64xf32, #tpu.memory_space<vmem>>, vector<16xf32>,
      %exp3A_88 = math.exp %get3A_87 : vector<16xf32>
      %add3A_89 = arith.addf %exp3A, %exp3A_80 : vector<16xf32>
      %add3A_90 = arith.addf %exp3A_84, %exp3A_88 : vector<16xf32>
      %add3A_91 = arith.addf %add3A_89, %add3A_90 : vector<16xf32>
      %reduce_sum3A = arith.constant true
      %reduce_sum3A_92 = vector.broadcast %reduce_sum3A : i1 to vector<16xi1>
      %reduce_sum3A_93 = tpu.scan <sum>, %add3A_91 masked %reduce_sum3A_92 : vector<16xf32>, vector<16xi1> -> vector<16xf32>
      %reduce_sum3A_94 = vector.extract %reduce_sum3A_93[15] : f32 from vector<16xf32>
      %broadcast_in_dim3A_95 = vector.broadcast %reduce_sum3A_94 : f32 to vector<16xf32>
      %div3A = arith.constant 1.000000e+00 : f32
      %div3A_96 = vector.broadcast %div3A : f32 to vector<16xf32>
      %div3A_97 = arith.divf %div3A_96, %broadcast_in_dim3A_95 : vector<16xf32>
      %mul3A_98 = arith.mulf %exp3A, %div3A_97 : vector<16xf32>
      %add3A_99 = arith.addf %scan3A_71, %mul3A_98 : vector<16xf32>
      %mul3A_100 = arith.mulf %exp3A_80, %div3A_97 : vector<16xf32>
      %add3A_101 = arith.addf %scan3A_72, %mul3A_100 : vector<16xf32>
      %mul3A_102 = arith.mulf %exp3A_84, %div3A_97 : vector<16xf32>
      %add3A_103 = arith.addf %scan3A_73, %mul3A_102 : vector<16xf32>
      %mul3A_104 = arith.mulf %exp3A_88, %div3A_97 : vector<16xf32>
      %add3A_105 = arith.addf %scan3A_74, %mul3A_104 : vector<16xf32>
      scf.yield %add3A_99, %add3A_101, %add3A_103, %add3A_105 : vector<16xf32>, vector<16xf32>, vector<16xf32>, vector<16xf32>
    }
    %scan3A_62 = arith.constant 256 : i32
    %swap3A = arith.constant 0 : index
    %swap3A_63 = tpu.vector_load %arg6[%swap3A] {strides = array<i32>} : memref<64xf32, #tpu.memory_space<vmem>>, vector<16xf32>,
    tpu.vector_store %arg6[%swap3A], %scan3A_61#0 {strides = array<i32>} : memref<64xf32, #tpu.memory_space<vmem>>, vector<16xf32>,
    %swap3A_64 = arith.constant 16 : index
    %swap3A_65 = tpu.vector_load %arg6[%swap3A_64] {strides = array<i32>} : memref<64xf32, #tpu.memory_space<vmem>>, vector<16xf32>,
    tpu.vector_store %arg6[%swap3A_64], %scan3A_61#1 {strides = array<i32>} : memref<64xf32, #tpu.memory_space<vmem>>, vector<16xf32>,
    %swap3A_66 = arith.constant 32 : index
    %swap3A_67 = tpu.vector_load %arg6[%swap3A_66] {strides = array<i32>} : memref<64xf32, #tpu.memory_space<vmem>>, vector<16xf32>,
    tpu.vector_store %arg6[%swap3A_66], %scan3A_61#2 {strides = array<i32>} : memref<64xf32, #tpu.memory_space<vmem>>, vector<16xf32>,
    %swap3A_68 = arith.constant 48 : index
    %swap3A_69 = tpu.vector_load %arg6[%swap3A_68] {strides = array<i32>} : memref<64xf32, #tpu.memory_space<vmem>>, vector<16xf32>,
    tpu.vector_store %arg6[%swap3A_68], %scan3A_61#3 {strides = array<i32>} : memref<64xf32, #tpu.memory_space<vmem>>, vector<16xf32>,
    "tpu.region"() ({
      %run_scoped3A = tpu.sem_alloc : memref<!tpu.dma_semaphore, #tpu.memory_space<semaphore_mem>>
      %dma_start3A_70 = arith.constant 0 : i32
      %dma_start3A_71 = tpu.memref_slice %arg3[%add3A, %dma_start3A_70] : memref<32x64xf32, #tpu.memory_space<hbm>> -> memref<1x64xf32, #tpu.memory_space<hbm>>
      %dma_start3A_72 = tpu.memref_squeeze %dma_start3A_71 : memref<1x64xf32, #tpu.memory_space<hbm>> -> memref<64xf32, #tpu.memory_space<hbm>>
      %dma_start3A_73 = arith.constant 0 : i32
      %dma_start3A_74 = tpu.memref_slice %arg3[%add3A, %dma_start3A_73] : memref<32x64xf32, #tpu.memory_space<hbm>> -> memref<1x64xf32, #tpu.memory_space<hbm>>
      %dma_start3A_75 = tpu.memref_squeeze %dma_start3A_74 : memref<1x64xf32, #tpu.memory_space<hbm>> -> memref<64xf32, #tpu.memory_space<hbm>>
      tpu.enqueue_dma source(%arg6 : memref<64xf32, #tpu.memory_space<vmem>>) target(%dma_start3A_75 : memref<64xf32, #tpu.memory_space<hbm>>) target_semaphore(%run_scoped3A : memref<!tpu.dma_semaphore, #tpu.memory_space<semaphore_mem>>)
      %dma_wait3A_76 = arith.constant 0 : i32
      %dma_wait3A_77 = tpu.memref_slice %arg3[%add3A, %dma_wait3A_76] : memref<32x64xf32, #tpu.memory_space<hbm>> -> memref<1x64xf32, #tpu.memory_space<hbm>>
      %dma_wait3A_78 = tpu.memref_squeeze %dma_wait3A_77 : memref<1x64xf32, #tpu.memory_space<hbm>> -> memref<64xf32, #tpu.memory_space<hbm>>
      %dma_wait3A_79 = arith.constant 0 : i32
      %dma_wait3A_80 = tpu.memref_slice %arg3[%add3A, %dma_wait3A_79] : memref<32x64xf32, #tpu.memory_space<hbm>> -> memref<1x64xf32, #tpu.memory_space<hbm>>
      %dma_wait3A_81 = tpu.memref_squeeze %dma_wait3A_80 : memref<1x64xf32, #tpu.memory_space<hbm>> -> memref<64xf32, #tpu.memory_space<hbm>>
      tpu.wait_dma2 semaphore(%run_scoped3A : memref<!tpu.dma_semaphore, #tpu.memory_space<semaphore_mem>>) src(%arg6 : memref<64xf32, #tpu.memory_space<vmem>>) dst(%dma_wait3A_81 : memref<64xf32, #tpu.memory_space<hbm>>)
      tpu.yield
    }) : () -> ()
    return
  }
}

module attributes {stable_mosaic.version = 14 : i64} {
  func.func @fk(%arg0: memref<32x64xf32, #tpu.memory_space<vmem>>, %arg1: memref<1x64xi32, #tpu.memory_space<vmem>>, %arg2: memref<1x1xf32, #tpu.memory_space<vmem>>) attributes {dimension_semantics = [], scalar_prefetch = 0 : i64, scratch_operands = 0 : i64, tpu.core_type = #tpu.core_type<tc>} {
    %get3A = arith.constant 0 : index
    %get3A_0 = arith.constant 0 : index
    %get3A_1 = vector.load %arg0[%get3A, %get3A_0] : memref<32x64xf32, #tpu.memory_space<vmem>>, vector<32x64xf32>
    %reduce_sum3A = arith.constant dense<0.000000e+00> : vector<64xf32>
    %reduce_sum3A_2 = vector.multi_reduction <add>, %get3A_1, %reduce_sum3A [0] : vector<32x64xf32> to vector<64xf32>
    %broadcast_in_dim3A = vector.shape_cast %reduce_sum3A_2 : vector<64xf32> to vector<1x64xf32>
    %get3A_3 = arith.constant 0 : index
    %get3A_4 = arith.constant 0 : index
    %get3A_5 = vector.load %arg1[%get3A_3, %get3A_4] : memref<1x64xi32, #tpu.memory_space<vmem>>, vector<1x64xi32>
    %convert_element_type3A = arith.sitofp %get3A_5 : vector<1x64xi32> to vector<1x64xf32>
    %reduce_sum3A_6 = vector.shape_cast %convert_element_type3A : vector<1x64xf32> to vector<1x1x64xf32>
    %reduce_sum3A_7 = arith.constant dense<0.000000e+00> : vector<1xf32>
    %reduce_sum3A_8 = vector.multi_reduction <add>, %reduce_sum3A_6, %reduce_sum3A_7 [1, 2] : vector<1x1x64xf32> to vector<1xf32>
    %reduce_sum3A_9 = vector.shape_cast %reduce_sum3A_8 : vector<1xf32> to vector<1x1x1xf32>
    %reduce_sum3A_10 = vector.extract %reduce_sum3A_9[0, 0, 0] : f32 from vector<1x1x1xf32>
    %div3A = vector.broadcast %reduce_sum3A_10 : f32 to vector<1x64xf32>
    %div3A_11 = arith.divf %convert_element_type3A, %div3A : vector<1x64xf32>
    %div3A_12 = arith.constant 3.276800e+04 : f32
    %div3A_13 = vector.broadcast %div3A_12 : f32 to vector<1x64xf32>
    %div3A_14 = arith.divf %broadcast_in_dim3A, %div3A_13 : vector<1x64xf32>
    %mul3A = arith.mulf %div3A_14, %div3A_11 : vector<1x64xf32>
    %reduce_sum3A_15 = vector.shape_cast %mul3A : vector<1x64xf32> to vector<1x1x64xf32>
    %reduce_sum3A_16 = arith.constant dense<0.000000e+00> : vector<1xf32>
    %reduce_sum3A_17 = vector.multi_reduction <add>, %reduce_sum3A_15, %reduce_sum3A_16 [1, 2] : vector<1x1x64xf32> to vector<1xf32>
    %reduce_sum3A_18 = vector.shape_cast %reduce_sum3A_17 : vector<1xf32> to vector<1x1x1xf32>
    %reduce_sum3A_19 = vector.extract %reduce_sum3A_18[0, 0, 0] : f32 from vector<1x1x1xf32>
    %mul3A_20 = arith.constant 6.400000e+01 : f32
    %mul3A_21 = arith.mulf %mul3A_20, %reduce_sum3A_19 : f32
    %reduce_sum3A_22 = vector.shape_cast %broadcast_in_dim3A : vector<1x64xf32> to vector<1x1x64xf32>
    %reduce_sum3A_23 = arith.constant dense<0.000000e+00> : vector<1xf32>
    %reduce_sum3A_24 = vector.multi_reduction <add>, %reduce_sum3A_22, %reduce_sum3A_23 [1, 2] : vector<1x1x64xf32> to vector<1xf32>
    %reduce_sum3A_25 = vector.shape_cast %reduce_sum3A_24 : vector<1xf32> to vector<1x1x1xf32>
    %reduce_sum3A_26 = vector.extract %reduce_sum3A_25[0, 0, 0] : f32 from vector<1x1x1xf32>
    %div3A_27 = arith.constant 6.400000e+01 : f32
    %div3A_28 = arith.divf %reduce_sum3A_26, %div3A_27 : f32
    %sub3A = vector.broadcast %div3A_28 : f32 to vector<1x64xf32>
    %sub3A_29 = arith.subf %broadcast_in_dim3A, %sub3A : vector<1x64xf32>
    %integer_pow3A = arith.mulf %sub3A_29, %sub3A_29 : vector<1x64xf32>
    %reduce_sum3A_30 = vector.shape_cast %integer_pow3A : vector<1x64xf32> to vector<1x1x64xf32>
    %reduce_sum3A_31 = arith.constant dense<0.000000e+00> : vector<1xf32>
    %reduce_sum3A_32 = vector.multi_reduction <add>, %reduce_sum3A_30, %reduce_sum3A_31 [1, 2] : vector<1x1x64xf32> to vector<1xf32>
    %reduce_sum3A_33 = vector.shape_cast %reduce_sum3A_32 : vector<1xf32> to vector<1x1x1xf32>
    %reduce_sum3A_34 = vector.extract %reduce_sum3A_33[0, 0, 0] : f32 from vector<1x1x1xf32>
    %div3A_35 = arith.constant 6.300000e+01 : f32
    %div3A_36 = arith.divf %reduce_sum3A_34, %div3A_35 : f32
    %mul3A_37 = arith.mulf %div3A_28, %div3A_28 : f32
    %div3A_38 = arith.divf %div3A_36, %mul3A_37 : f32
    %add3A = arith.addf %mul3A_21, %div3A_38 : f32
    %reshape3A = vector.broadcast %add3A : f32 to vector<1x1xf32>
    %swap3A = arith.constant 0 : index
    %swap3A_39 = arith.constant 0 : index
    %swap3A_40 = vector.load %arg2[%swap3A, %swap3A_39] : memref<1x1xf32, #tpu.memory_space<vmem>>, vector<1x1xf32>
    tpu.vector_store %arg2[%swap3A, %swap3A_39], %reshape3A {strides = array<i32>} : memref<1x1xf32, #tpu.memory_space<vmem>>, vector<1x1xf32>,
    return
  }
}

</mosaic_0001>

<sc_bundles>
// kernel: kernel.4.cloned.1.call-start
scs
__scs_entry_jumppad:
0x0: {  	(pc) =	sbr.rel $0x88, $3  }
0x1: {  	(tag) =	ssettag $0x0;
	lr =	simm.s32 $0x1  }
0x2: {  	[smem:$0x3F9F] =	sst lr;
	_ =	strace $0xD0000000  }
0x3: {  	_ = 	snop  }
0x4: {  	_ = 	snop  }
0x5: {  	_ = 	snop  }
0x6: {  	_ = 	snop  }
0x7: {  	_ = 	snop  }
__scs_overlays_trampoline_lowered:
0x8: {  	[smem:$0x3FAE] =	sst s0  }
0x9: {  	[smem:$0x3FAF] =	sst s1  }
0xa: {  	[smem:$0x3FB0] =	sst s2  }
0xb: {  	[smem:$0x3FB1] =	sst s3  }
0xc: {  	[smem:$0x3FB2] =	sst s4  }
0xd: {  	[smem:$0x3FB3] =	sst s5  }
0xe: {  	[smem:$0x3FB4] =	sst s6  }
0xf: {  	[smem:$0x3FB5] =	sst s7  }
0x10: {  	[smem:$0x3FB6] =	sst s8  }
0x11: {  	[smem:$0x3FB7] =	sst s9;
	s0 =	simm.s32 @!p0 $0x0  }
0x12: {  	s1 =	sld [smem:$0x3F9D];
	s0 =	simm.s32 @p0 $0x1  }
0x13: {  	[smem:$0x3FB8] =	sst s0;
	s0 =	simm.s32 @!p1 $0x0  }
0x14: {  	s2 =	sld [smem:$0x3F9C];
	s0 =	simm.s32 @p1 $0x1  }
0x15: {  	[smem:$0x3FB9] =	sst s0;
	s0 =	simm.s32 @!p2 $0x0  }
0x16: {  	s3 =	sld [smem:$0x3FDB];
	s0 =	simm.s32 @p2 $0x1  }
0x17: {  	s4 =	simm.s32 $0x1BF5;
	[smem:$0x3FBB] =	sst s0  }
0x18: {  	s0 =	sld [smem:$0x3F9E];
	_ =	swait.ge [sflag:s4], $0x0  }
0x19: {  	s7 =	sld [smem:$0x3F9F]  }
0x1a: {  	s8 =	sadd.s32 $0xFFFFE003, lr  }
0x1b: {  	s9 =	sadd.s32 $0xFFFFFEF7, lr;
	s5 =	simm.s32 $0xFFFFFFFF;
	p2 =	slt.u32 s8, $0xFFFFF086  }
0x1c: {  	p1 =	slt.u32 s9, $0xF7A;
	s5 =	simm.s32 @!p2 $0x0  }
0x1d: {  	s5 =	simm.s32 @p1 $0x1;
	p0 =	seq.s32 s7, s2  }
0x1e: {  	s7 =	smul.u32 @!p0 $0xF7A, s2;
	p2 =	seq.s32 @!p0 s5, $0x0  }
0x1f: {  	s9 =	smul.u32 $0xF7A, s1;
	s8 =	simm.s32 @!p0 $0x1BF5;
	p2 =	por !p2, p0  }
0x20: {  	[sflag:s8] =	ssyncset.s32 @!p0 $0xFFFFF086;
	s6 =	sadd.s32 @!p0 s3, s7;
	s7 =	simm.s32 @!p0 $0x108  }
0x21: {  	s3 =	sadd.s32 s3, s9;
	s6 =	sadd.s32 @!p0 $0x88, s6;
	s7 =	simm.s32 @p2 $0x1082  }
0x22: {  	[simem:s7], [sflag:s8] =	dma.local @!p0 [hbm:s6], $0xF7A  }
0x23: {  	s9 =	sor.u32 $0xD0000000, s2;
	s6 =	simm.s32 $0x108;
	_ =	swait.ge @!p0 [sflag:s8], $0x0  }
0x24: {  	s3 =	sadd.s32 $0x88, s3;
	s6 =	simm.s32 @!p1 $0x1082;
	[sflag:s4] =	ssyncset.s32 $0xFFFFF086  }
0x25: {  	[simem:s6], [sflag:s4] =	dma.local [hbm:s3], $0xF7A  }
0x26: {  	[smem:$0x3F9F] =	sst s1;
	(tag) =	ssettag s2;
	_ =	strace s9  }
0x27: {  	s1 =	sld [smem:$0x3FAF]  }
0x28: {  	s2 =	sld [smem:$0x3FB0]  }
0x29: {  	s4 =	sld [smem:$0x3FB2]  }
0x2a: {  	p0 =	seq.s32 s5, $0x0;
	s5 =	sld [smem:$0x3FB3]  }
0x2b: {  	s6 =	sld [smem:$0x3FB4]  }
0x2c: {  	s7 =	sld [smem:$0x3FB5]  }
0x2d: {  	s3 =	simm.s32 $0x108;
	s8 =	sld [smem:$0x3FB6]  }
0x2e: {  	s3 =	simm.s32 @!p0 $0x1082;
	s9 =	sld [smem:$0x3FB7]  }
0x2f: {  	lr =	sadd.s32 s0, s3;
	s0 =	sld [smem:$0x3FAE]  }
0x30: {  	s3 =	sld [smem:$0x3FB1]  }
0x31: {  	[smem:$0x3FBA] =	sst s10  }
0x32: {  	s10 =	sld [smem:$0x3FB8];
	_ =	sdelay $0x3  }
0x33: {  	p0 =	seq.s32 s10, $0x1;
	s10 =	sld [smem:$0x3FBA];
	_ =	sdelay $0x3  }
0x34: {  	[smem:$0x3FBA] =	sst s10  }
0x35: {  	s10 =	sld [smem:$0x3FB9];
	_ =	sdelay $0x3  }
0x36: {  	p1 =	seq.s32 s10, $0x1;
	s10 =	sld [smem:$0x3FBA];
	_ =	sdelay $0x3  }
0x37: {  	[smem:$0x3FBA] =	sst s10  }
0x38: {  	s10 =	sld [smem:$0x3FBB]  }
0x39: {  	_ = 	snop;
	(pc) =	sbr.ind lr, $3  }
0x3a: {  	_ = 	snop  }
0x3b: {  	_ = 	snop  }
0x3c: {  	p2 =	seq.s32 s10, $0x1;
	s10 =	sld [smem:$0x3FBA]  }
0x3d: {  	_ =	shalt  }
0x3e: {  	_ =	shalt  }
0x3f: {  	_ =	shalt  }
0x40: {  	_ =	shalt  }
0x41: {  	_ =	shalt  }
0x42: {  	_ =	shalt  }
0x43: {  	_ =	shalt  }
0x44: {  	_ =	shalt  }
0x45: {  	_ =	shalt  }
0x46: {  	_ =	shalt  }
0x47: {  	_ =	shalt  }
0x48: {  	_ =	shalt  }
0x49: {  	_ =	shalt  }
0x4a: {  	_ =	shalt  }
0x4b: {  	_ =	shalt  }
0x4c: {  	_ =	shalt  }
0x4d: {  	_ =	shalt  }
0x4e: {  	_ =	shalt  }
0x4f: {  	_ =	shalt  }
0x50: {  	_ =	shalt  }
0x51: {  	_ =	shalt  }
0x52: {  	_ =	shalt  }
0x53: {  	_ =	shalt  }
0x54: {  	_ =	shalt  }
0x55: {  	_ =	shalt  }
0x56: {  	_ =	shalt  }
0x57: {  	_ =	shalt  }
0x58: {  	_ =	shalt  }
0x59: {  	_ =	shalt  }
0x5a: {  	_ =	shalt  }
0x5b: {  	_ =	shalt  }
0x5c: {  	_ =	shalt  }
0x5d: {  	_ =	shalt  }
0x5e: {  	_ =	shalt  }
0x5f: {  	_ =	shalt  }
0x60: {  	_ =	shalt  }
0x61: {  	_ =	shalt  }
0x62: {  	_ =	shalt  }
0x63: {  	_ =	shalt  }
0x64: {  	_ =	shalt  }
0x65: {  	_ =	shalt  }
0x66: {  	_ =	shalt  }
0x67: {  	_ =	shalt  }
0x68: {  	_ =	shalt  }
0x69: {  	_ =	shalt  }
0x6a: {  	_ =	shalt  }
0x6b: {  	_ =	shalt  }
0x6c: {  	_ =	shalt  }
0x6d: {  	_ =	shalt  }
0x6e: {  	_ =	shalt  }
0x6f: {  	_ =	shalt  }
0x70: {  	_ =	shalt  }
0x71: {  	_ =	shalt  }
0x72: {  	_ =	shalt  }
0x73: {  	_ =	shalt  }
0x74: {  	_ =	shalt  }
0x75: {  	_ =	shalt  }
0x76: {  	_ =	shalt  }
0x77: {  	_ =	shalt  }
0x78: {  	_ =	shalt  }
0x79: {  	_ =	shalt  }
0x7a: {  	_ =	shalt  }
0x7b: {  	_ =	shalt  }
0x7c: {  	_ =	shalt  }
0x7d: {  	_ =	shalt  }
0x7e: {  	_ =	shalt  }
0x7f: {  	_ =	shalt  }
0x80: {  	_ =	shalt  }
0x81: {  	_ =	shalt  }
0x82: {  	_ =	shalt  }
0x83: {  	_ =	shalt  }
0x84: {  	_ =	shalt  }
0x85: {  	_ =	shalt  }
0x86: {  	_ =	shalt  }
0x87: {  	_ =	shalt  }
.Lfunc_end0:
.L_simem_size_0:
called_computation_lowered:
.L_overlay_start_0:
0x88: {  	s2 =	sld [smem:$0x3FD9]  }
0x89: {  	s3 =	sld [smem:$0x3FFE];
	_ =	sdelay $0x1  }
0x8a: {  	s1 =	srdreg.scid  }
0x8b: {  	s0 =	sand.u32 $0x1, s1  }
0x8c: {  	s16 =	sshll.u32 s0, $0xA;
	s2 =	sadd.s32 s3, s2  }
0x8d: {  	s2 =	sadd.s32 s2, s16  }
0x8e: {  	[smem:$0x3FC6] =	sst s2  }
0x8f: {  	_ = 	snop  }
0x90: {  	(tm) =	ssettm $0x1  }
0x91: {  	s17 =	sld [smem:$0x3FFB];
	_ =	sdelay $0x3  }
0x92: {  	_ =	strace s17  }
0x93: {  	s2 =	sld [smem:$0x3FFC];
	_ =	sdelay $0x3  }
0x94: {  	_ =	strace s2  }
0x95: {  	s2 =	sld [smem:$0x3FFD];
	_ =	sdelay $0x3  }
0x96: {  	_ =	strace s2  }
0x97: {  	_ =	strace $0x8FFFFFFF  }
0x98: {  	s18 =	sld [smem:$0x3FDB];
	_ =	sdelay $0x1  }
0x99: {  	s19 =	simm.s32 $_scs_section_size  }
0x9a: {  	s4 =	simm.s32 $_size__tile_overlayer_lowered;
	s5 =	simm.s32 $_tile_overlayer_lowered  }
0x9b: {  	s22 =	simm.s32 $0x1BFF;
	s21 =	sshll.u32 s5, $0x1;
	s2 =	sadd.s32 s19, s18  }
0x9c: {  	s6 =	simm.s32 $0x0;
	s20 =	sshll.u32 s4, $0x1;
	s4 =	sadd.s32 s21, s2  }
0x9d: {  	[timem:s6], [sflag:s22] =	dma.local [hbm:s4], s20  }
0x9e: {  	_ =	swait.ge [sflag:s22], s20  }
0x9f: {  	s3 =	ssub.s32 $0x0, s20;
	[sflag:s22] =	ssyncset.done $0x0  }
0xa0: {  	[sflag:s22] =	ssyncadd.s32 s3;
	_ =	sdelay $0x1  }
0xa1: {  	s23 =	simm.s32 $0x1B8B  }
0xa2: {  	_ =	swait.ge [sflag:s23], $0x1  }
0xa3: {  	[sflag:s23] =	ssyncset.done $0x0  }
0xa4: {  	s25 =	simm.s32 $0x1B8E;
	s24 =	sld [smem:$0x3FFE];
	[sflag:s23] =	ssyncadd.s32 $0xFFFFFFFF  }
0xa5: {  	s26 =	simm.s32 $execute0_lowered;
	[smem:$0x3FD2] =	sst s25  }
0xa6: {  	s4 =	sshll.u32 s26, $0x1;
	_ =	strace $0x80000046;
	[dreg:$0x1] =	wrdreg $0xFFFFFFFF  }
0xa7: {  	s28 =	simm.s32 $_size_execute0_lowered;
	s2 =	sadd.s32 s2, s4;
	[dreg:$0x0] =	wrdreg $0x0  }
0xa8: {  	s4 =	sshll.u32 s28, $0x1;
	[dreg:$0x2] =	wrdreg s2  }
0xa9: {  	[dreg:$0x3] =	wrdreg s4  }
0xaa: {  	[dreg:$0x4] =	wrdreg $0xC0  }
0xab: {  	_ =	task [dreg:s6], $0x5FFFF  }
0xac: {  	[dreg:$0x1] =	wrdreg $0xFFFFFFFF  }
0xad: {  	[dreg:$0x0] =	wrdreg $0x60  }
0xae: {  	[dreg:$0x2] =	wrdreg s24  }
0xaf: {  	[dreg:$0x3] =	wrdreg $0x9  }
0xb0: {  	_ =	task.clear_ibuf [dreg:s6], $0x4FFFF;
	_ =	strace $0x90000046  }
0xb1: {  	s29 =	simm.s32 $0x9;
	_ =	strace $0x80000048  }
0xb2: {  	_ =	swait.ge [sflag:s29], $0x1  }
0xb3: {  	[sflag:s29] =	ssyncadd.s32 $0xFFFFFFFF  }
0xb4: {  	_ =	strace $0x90000048  }
0xb5: {  	_ =	sfence  }
0xb6: {  	s30 =	sld [smem:$0x0];
	_ =	sdelay $0x2  }
0xb7: {  	s31 =	sshll.u32 s1, $0xD;
	s1 =	sshrl.u32 s1, $0x2  }
0xb8: {  	s3 =	sand.u32 $0x4000, s31;
	s1 =	sadd.s32 s1, s30  }
0xb9: {  	s0 =	sor.u32 s3, s0;
	s1 =	sshll.u32 s1, $0x11  }
0xba: {  	s0 =	sor.u32 s1, s0  }
0xbb: {  	s0 =	sadd.s32 $0x8F2B, s0  }
0xbc: {  	[sflag:s0] =	ssyncadd.remote.s32 $0x1  }
0xbd: {  	_ =	sfence.sel $0xFFFF  }
0xbe: {  	[dreg:$0x0] =	wrdreg $0xFFFFFFFF;
	(pc) =	sbr.abs _section_cstart, $3  }
0xbf: {  	[dreg:$0x1] =	wrdreg $0xFFFFFFFF  }
0xc0: {  	_ =	task.clear_ibuf [dreg:s6], $0x2FFFF;
	_ =	strace $0x9FFFFFFF  }
0xc1: {  	(tm) =	ssettm $0x7FFFFFFF  }
tec
execute0_lowered:
.L_overlay_start_1:
0x0: {  	(tag) =	ssettag $0x1  }
0x1: {  	s3 =	rddreg [dreg:$0x0]  }
0x2: {  	s0 =	rddreg [dreg:$0x1]  }
0x3: {  	s2 =	simm.s32 $0x0;
	s4 =	srdreg.scid;
	s1 =	stileid.u32  }
0x4: {  	s10 =	simm.s32 $0x1;
	s11 =	simm.s32 $0x2;
	s12 =	simm.s32 $0x10000  }
0x5: {  	s13 =	simm.s32 $0x3;
	s4 =	sand.u32 $0x1, s4;
	s5 =	sshll.u32 s1, $0x1  }
0x6: {  	s14 =	simm.s32 $0x0;
	[smem:$0x7FF] =	sst s2;
	s5 =	sor.u32 s4, s5  }
0x7: {  	_ =	strace $0x80000047;
	s4 =	ssub.s32 $0x2, s4;
	s6 =	sshll.u32 s5, $0xE  }
0x8: {  	s5 =	sshll.u32 s5, $0x4;
	s7 =	sshrl.u32 s4, $0x1;
	s6 =	sadd.s32 s6, s3  }
0x9: {  	s8 =	sadd.s32 s5, s3;
	s9 =	ssub.s32 s4, s7;
	s3 =	sadd.s32 $0x800, s6  }
0xa: {  	s4 =	sadd.s32 $0x1800, s6;
	s5 =	sadd.s32 $0x2800, s6;
	s6 =	sadd.s32 $0x3800, s6  }
0xb: {  	s7 =	sadd.s32 $0x80800, s8;
	s8 =	smax.u32 s9, $0x1;
	s9 =	simm.s32 $0x8000  }
.LBB2_1:
0xc: {  	[tilespmem:s2], [sflag:$0x1] =	stream.linear.gather [hbm4b:s3+s2], $0x8000, $0x38;
	[tilespmem:$0x10080] =	vst v63  }
0xd: {  	_ = 	snop  }
0xe: {  	[tilespmem:s9], [sflag:$0x2] =	stream.linear.gather [hbm4b:s4+s2], $0x8000, $0x38;
	[tilespmem:$0x10080] =	vst v63  }
0xf: {  	_ =	swait.ge [sflag:s10], $0x8000  }
0x10: {  	[sflag:s10] =	ssyncset.done $0x0  }
0x11: {  	s15 =	simm.s32 $0x0;
	[sflag:s10] =	ssyncadd.s32 $0xFFFF8000  }
0x12: {  	v0 =	vld [tilespmem:s15+$0x0]  }
0x13: {  	v1 =	vld [tilespmem:s15+$0x10]  }
0x14: {  	v2 =	vld [tilespmem:s15+$0x20]  }
0x15: {  	v3 =	vld [tilespmem:s15+$0x30];
	_ =	sdelay $0x1  }
0x16: {  	v0 =	vmul.f32 $1.442695020e+00, v0  }
0x17: {  	v1 =	vmul.f32 $1.442695020e+00, v1  }
0x18: {  	(erf) = vpow2.f32 v0;
	v0 =	vmul.f32 $1.442695020e+00, v2  }
0x19: {  	(erf) = vpow2.f32 v1;
	v1 =	vmul.f32 $1.442695020e+00, v3  }
0x1a: {  	s26 =	simm.s32 $0x80;
	(erf) = vpow2.f32 v0  }
0x1b: {  	v2 =	vld [tilespmem:s26+$0x0];
	(erf) = vpow2.f32 v1  }
0x1c: {  	v0 =	vld [tilespmem:s26+$0x10]  }
0x1d: {  	v1 =	vld [tilespmem:s26+$0x20]  }
0x1e: {  	v3 =	vld [tilespmem:s26+$0x30];
	_ =	sdelay $0x1  }
0x1f: {  	v2 =	vmul.f32 $1.442695020e+00, v2  }
0x20: {  	v4 =	vmul.f32 $1.442695020e+00, v0;
	v0 =	vpop (erf)  }
0x21: {  	(erf) = vpow2.f32 v2;
	v1 =	vmul.f32 $1.442695020e+00, v1;
	v5 =	vpop (erf)  }
0x22: {  	v2 =	vmul.f32 $1.442695020e+00, v3;
	(erf) = vpow2.f32 v4;
	v6 =	vpop (erf)  }
0x23: {  	(erf) = vpow2.f32 v1;
	v17 =	vpop (erf)  }
0x24: {  	s28 =	simm.s32 $0x100;
	(erf) = vpow2.f32 v2;
	v2 =	vadd.f32 v5, v0;
	v3 =	vadd.f32 v17, v6  }
0x25: {  	v1 =	vld [tilespmem:s28+$0x0]  }
0x26: {  	v4 =	vld [tilespmem:s28+$0x10];
	v2 =	vadd.f32 v3, v2;
	_ =	sdelay $0x1  }
0x27: {  	v3 =	vld [tilespmem:s28+$0x20]  }
0x28: {  	v8 =	vld [tilespmem:s28+$0x30]  }
0x29: {  	s29 =	simm.s32 $0x180;
	v1 =	vmul.f32 $1.442695020e+00, v1;
	(xrf2) =	vadd.scan.msk.f32 $0xffff, v2;
	v2 =	vpop (erf)  }
0x2a: {  	v9 =	vld [tilespmem:s29+$0x0];
	v4 =	vmul.f32 $1.442695020e+00, v4;
	v13 =	vpop (erf)  }
0x2b: {  	v10 =	vld [tilespmem:s29+$0x10];
	(erf) = vpow2.f32 v1;
	v7 =	vpop (erf)  }
0x2c: {  	(erf) = vpow2.f32 v4;
	v1 =	vmul.f32 $1.442695020e+00, v3;
	v12 =	vpop (erf)  }
0x2d: {  	v4 =	vmul.f32 $1.442695020e+00, v8;
	v11 =	vadd.f32 v13, v2;
	v14 =	vadd.f32 v12, v7  }
0x2e: {  	v3 =	vld [tilespmem:s29+$0x20];
	(erf) = vpow2.f32 v1  }
0x2f: {  	v8 =	vld [tilespmem:s29+$0x30];
	v1 =	vmul.f32 $1.442695020e+00, v9;
	(erf) = vpow2.f32 v4;
	v9 =	vadd.f32 v14, v11  }
0x30: {  	v4 =	vmul.f32 $1.442695020e+00, v10  }
0x31: {  	(xrf2) =	vadd.scan.msk.f32 $0xffff, v9;
	_ =	sdelay $0x1  }
0x32: {  	s30 =	simm.s32 $0x200;
	(erf) = vpow2.f32 v1;
	v1 =	vmul.f32 $1.442695020e+00, v3  }
0x33: {  	v10 =	vld [tilespmem:s30+$0x0];
	(erf) = vpow2.f32 v4;
	v3 =	vmul.f32 $1.442695020e+00, v8;
	v4, _, _ =	vpop (xrf2)  }
0x34: {  	v11 =	vld [tilespmem:s30+$0x10];
	v8 =	vpop (erf);
	(erf) = vpow2.f32 v1;
	v1 =	vbroadcast v4, $0xF  }
0x35: {  	(erf) = vpow2.f32 v3;
	v9 =	vpop (erf)  }
0x36: {  	v3 =	vld [tilespmem:s30+$0x20];
	(erf) = vrcp.f32 v1;
	v4 =	vpop (erf)  }
0x37: {  	v1 =	vld [tilespmem:s30+$0x30];
	v14 =	vpop (erf)  }
0x38: {  	v10 =	vmul.f32 $1.442695020e+00, v10;
	v18 =	vadd.f32 v9, v8;
	v20 =	vadd.f32 v14, v4  }
0x39: {  	v15 =	vmul.f32 $1.442695020e+00, v11  }
0x3a: {  	(erf) = vpow2.f32 v10;
	v18 =	vadd.f32 v20, v18;
	v16, _, _ =	vpop (xrf2)  }
0x3b: {  	s31 =	simm.s32 $0x280;
	v11 =	vpop (erf);
	v3 =	vmul.f32 $1.442695020e+00, v3;
	v21 =	vbroadcast v16, $0xF  }
0x3c: {  	v19 =	vld [tilespmem:s31+$0x0];
	(erf) = vpow2.f32 v15;
	v10 =	vpop (erf);
	v1 =	vmul.f32 $1.442695020e+00, v1;
	(xrf2) =	vadd.scan.msk.f32 $0xffff, v18  }
0x3d: {  	(erf) = vpow2.f32 v3;
	v15 =	vpop (erf)  }
0x3e: {  	v23 =	vimm.f32 $0.0e+00;
	v3 =	vimm.f32 $0.0e+00;
	(erf) = vpow2.f32 v1;
	v1 =	vld [tilespmem:s31+$0x10];
	v16 =	vpop (erf)  }
0x3f: {  	v22 =	vld [tilespmem:s31+$0x30];
	v26 =	vadd.f32 v10, v11;
	v18 =	vimm.f32 $0.0e+00;
	(erf) = vrcp.f32 v21;
	v21 =	vpop (erf)  }
0x40: {  	s15 =	simm.s32 $0xC00;
	v20 =	vld [tilespmem:s31+$0x20];
	v30 =	vadd.f32 v16, v15;
	v29 =	vmul.f32 v21, v17;
	v17 =	vimm.f32 $0.0e+00  }
.LBB2_2:
0x41: {  	v19 =	vmul.f32 $1.442695020e+00, v19;
	v28 =	vmul.f32 v21, v0;
	v0 =	vmovc v2;
	v2 =	vmovc v8;
	v8 =	vmov v11  }
0x42: {  	p0 =	sne.s32 s15, $0x1FE00;
	v25 =	vmovc v4;
	v4 =	vmovc v15;
	v27 =	vmov v12;
	v12 =	vmov v14;
	v14 =	vmov v16  }
0x43: {  	v1 =	vmul.f32 $1.442695020e+00, v1;
	v15 =	vadd.f32 v30, v26;
	v3 =	vadd.f32 v29, v3  }
0x44: {  	v16 =	vmul.f32 v21, v5;
	(erf) = vpow2.f32 v19;
	v11 =	vpop (erf);
	v23 =	vadd.f32 v28, v23  }
0x45: {  	s16 =	sshra.s32 s15, $0x2;
	v5 =	vmov v13;
	v20 =	vmul.f32 $1.442695020e+00, v20;
	(erf) = vpow2.f32 v1;
	v24 =	vpop (erf);
	(xrf2) =	vadd.scan.msk.f32 $0xffff, v15  }
.Ltmp0:
0x46: {  	v18 =	vadd.f32 v16, v18;
	v28 =	vmul.f32 v21, v6;
	v19 =	vld [tilespmem:s16+$0x0];
	v22 =	vmul.f32 $1.442695020e+00, v22;
	v13, _, _ =	vpop (xrf2);
	(pc) =	sbr.rel @p0 .LBB2_2-.Ltmp0, $4  }
0x47: {  	v1 =	vld [tilespmem:s16+$0x10];
	(erf) = vpow2.f32 v20;
	v15 =	vpop (erf);
	v26 =	vbroadcast v13, $0xF;
	v13 =	vmov v9  }
0x48: {  	v17 =	vadd.f32 v28, v17;
	v9 =	vmov v10;
	(erf) = vpow2.f32 v22;
	v16 =	vpop (erf)  }
0x49: {  	v6 =	vmov v7;
	v10 =	vmov v24;
	v20 =	vld [tilespmem:s16+$0x20];
	(erf) = vrcp.f32 v26;
	v21 =	vpop (erf)  }
0x4a: {  	s15 =	sadd.s32 $0x200, s15;
	v7 =	vmovc v25;
	v26 =	vadd.f32 v10, v11;
	v30 =	vadd.f32 v16, v15;
	v22 =	vld [tilespmem:s16+$0x30];
	v29 =	vmul.f32 v21, v27  }
0x4b: {  	_ = 	snop  }
0x4c: {  	v19 =	vmul.f32 $1.442695020e+00, v19  }
0x4d: {  	v1 =	vmul.f32 $1.442695020e+00, v1  }
0x4e: {  	(erf) = vpow2.f32 v19;
	v19 =	vmul.f32 $1.442695020e+00, v20  }
0x4f: {  	(erf) = vpow2.f32 v1;
	v1 =	vmul.f32 $1.442695020e+00, v22  }
0x50: {  	(erf) = vpow2.f32 v19  }
0x51: {  	(erf) = vpow2.f32 v1  }
0x52: {  	v27 =	vpop (erf)  }
0x53: {  	v24 =	vpop (erf)  }
0x54: {  	v25 =	vpop (erf)  }
0x55: {  	v28 =	vpop (erf)  }
0x56: {  	v31 =	vpop (erf)  }
0x57: {  	v22 =	vpop (erf)  }
0x58: {  	v20 =	vpop (erf)  }
0x59: {  	v1 =	vadd.f32 v30, v26;
	v19 =	vpop (erf)  }
0x5a: {  	v30 =	vadd.f32 v24, v27;
	v32 =	vadd.f32 v28, v25;
	v26 =	vpop (erf)  }
0x5b: {  	v33 =	vadd.f32 v20, v22;
	v34 =	vadd.f32 v26, v19  }
0x5c: {  	v30 =	vadd.f32 v32, v30  }
0x5d: {  	(xrf2) =	vadd.scan.msk.f32 $0xffff, v1;
	v1 =	vadd.f32 v34, v33  }
0x5e: {  	(xrf2) =	vadd.scan.msk.f32 $0xffff, v30  }
0x5f: {  	(xrf2) =	vadd.scan.msk.f32 $0xffff, v1;
	_ =	sdelay $0x6  }
0x60: {  	v1, _, _ =	vpop (xrf2)  }
0x61: {  	v30, _, _ =	vpop (xrf2);
	v1 =	vbroadcast v1, $0xF  }
0x62: {  	v30 =	vbroadcast v30, $0xF;
	v48, _, _ =	vpop (xrf2)  }
0x63: {  	(erf) = vrcp.f32 v1;
	v1 =	vbroadcast v48, $0xF;
	v49, _, _ =	vpop (xrf2)  }
0x64: {  	(erf) = vrcp.f32 v30;
	v30 =	vbroadcast v49, $0xF  }
0x65: {  	(erf) = vrcp.f32 v1  }
0x66: {  	(erf) = vrcp.f32 v30;
	_ =	sdelay $0x5  }
0x67: {  	v30 =	vpop (erf)  }
0x68: {  	v50 =	vpop (erf)  }
0x69: {  	s15 =	simm.s32 $0x0;
	v51 =	vpop (erf)  }
0x6a: {  	[tilespmem:s15], [sflag:$0x1] =	stream.linear.gather [hbm4b:s5+s15], $0x8000, $0x38;
	v52 =	vpop (erf);
	[tilespmem:$0x10080] =	vst v63  }
0x6b: {  	_ =	swait.ge [sflag:s11], $0x8000  }
0x6c: {  	[sflag:s11] =	ssyncset.done $0x0  }
0x6d: {  	s25 =	simm.s32 $0x0;
	[sflag:s11] =	ssyncadd.s32 $0xFFFF8000  }
0x6e: {  	v1 =	vld [tilespmem:s25+$0x8000]  }
0x6f: {  	v35 =	vld [tilespmem:s25+$0x8010]  }
0x70: {  	v36 =	vld [tilespmem:s25+$0x8020];
	_ =	sdelay $0x2  }
0x71: {  	v1 =	vmul.f32 $1.442695020e+00, v1  }
0x72: {  	v37 =	vld [tilespmem:s25+$0x8030];
	v35 =	vmul.f32 $1.442695020e+00, v35  }
0x73: {  	s26 =	simm.s32 $0x80;
	(erf) = vpow2.f32 v1;
	v1 =	vmul.f32 $1.442695020e+00, v36  }
0x74: {  	v54 =	vld [tilespmem:s26+$0x8000];
	(erf) = vpow2.f32 v35  }
0x75: {  	(erf) = vpow2.f32 v1;
	v1 =	vld [tilespmem:s26+$0x8010];
	_ =	sdelay $0x1  }
0x76: {  	v55 =	vld [tilespmem:s26+$0x8020];
	v53 =	vmul.f32 $1.442695020e+00, v37  }
0x77: {  	v56 =	vld [tilespmem:s26+$0x8030]  }
0x78: {  	v38 =	vmul.f32 v21, v0;
	(erf) = vpow2.f32 v53  }
0x79: {  	v36 =	vmul.f32 $1.442695020e+00, v54;
	v0 =	vmul.f32 $1.442695020e+00, v1  }
0x7a: {  	s28 =	simm.s32 $0x100;
	v5 =	vmul.f32 v21, v5  }
0x7b: {  	v58 =	vld [tilespmem:s28+$0x8000];
	v35 =	vmul.f32 $1.442695020e+00, v55;
	(erf) = vpow2.f32 v36  }
0x7c: {  	v57 =	vmul.f32 $1.442695020e+00, v56;
	v1 =	vpop (erf);
	(erf) = vpow2.f32 v0  }
0x7d: {  	v29 =	vadd.f32 v29, v3;
	v59 =	vld [tilespmem:s28+$0x8010];
	v0 =	vpop (erf);
	(erf) = vpow2.f32 v35  }
0x7e: {  	v18 =	vadd.f32 v5, v18;
	v5 =	vmul.f32 v21, v6;
	v3 =	vpop (erf);
	(erf) = vpow2.f32 v57  }
0x7f: {  	v6 =	vmul.f32 v31, v12  }
0x80: {  	v23 =	vadd.f32 v38, v23;
	v17 =	vadd.f32 v5, v17;
	v61 =	vld [tilespmem:s28+$0x8020];
	v5 =	vmul.f32 $1.442695020e+00, v58  }
0x81: {  	v2 =	vmul.f32 v31, v2;
	v13 =	vmul.f32 v31, v13;
	v29 =	vadd.f32 v6, v29;
	v12 =	vld [tilespmem:s28+$0x8030];
	v60 =	vpop (erf)  }
0x82: {  	v6 =	vmul.f32 $1.442695020e+00, v59;
	v39 =	vadd.f32 v0, v1;
	v40 =	vadd.f32 v60, v3  }
0x83: {  	v31 =	vmul.f32 v31, v7;
	v13 =	vadd.f32 v13, v18;
	v14 =	vmul.f32 v30, v14  }
0x84: {  	v18 =	vmul.f32 v30, v8;
	(erf) = vpow2.f32 v5;
	v5 =	vpop (erf);
	v21 =	vadd.f32 v40, v39  }
0x85: {  	s29 =	simm.s32 $0x180;
	v2 =	vadd.f32 v2, v23;
	v9 =	vmul.f32 v30, v9;
	v23 =	vmul.f32 $1.442695020e+00, v61;
	v7 =	vpop (erf)  }
0x86: {  	v62 =	vld [tilespmem:s29+$0x8000];
	v12 =	vmul.f32 $1.442695020e+00, v12;
	(erf) = vpow2.f32 v6;
	(xrf2) =	vadd.scan.msk.f32 $0xffff, v21;
	v6 =	vpop (erf)  }
0x87: {  	v17 =	vadd.f32 v31, v17;
	v4 =	vmul.f32 v30, v4;
	(erf) = vpow2.f32 v23;
	v21 =	vld [tilespmem:s29+$0x8010];
	v8 =	vpop (erf)  }
0x88: {  	(erf) = vpow2.f32 v12;
	v12 =	vld [tilespmem:s29+$0x8020];
	v31 =	vadd.f32 v7, v5;
	v63 =	vadd.f32 v8, v6  }
0x89: {  	v11 =	vmul.f32 v50, v11;
	v14 =	vadd.f32 v14, v29;
	v2 =	vadd.f32 v18, v2  }
0x8a: {  	v9 =	vadd.f32 v9, v13;
	v13 =	vmul.f32 v50, v16;
	v29 =	vld [tilespmem:s29+$0x8030];
	v18 =	vadd.f32 v63, v31  }
0x8b: {  	v10 =	vmul.f32 v50, v10;
	v23 =	vmul.f32 $1.442695020e+00, v62  }
0x8c: {  	v13 =	vadd.f32 v13, v14;
	v14 =	vmul.f32 v50, v15;
	v21 =	vmul.f32 $1.442695020e+00, v21;
	(xrf2) =	vadd.scan.msk.f32 $0xffff, v18  }
0x8d: {  	v4 =	vadd.f32 v4, v17;
	(erf) = vpow2.f32 v23;
	v12 =	vmul.f32 $1.442695020e+00, v12  }
0x8e: {  	s30 =	simm.s32 $0x200;
	v17 =	vadd.f32 v10, v9;
	v9 =	vmul.f32 v51, v28;
	(erf) = vpow2.f32 v21  }
0x8f: {  	v15 =	vmul.f32 $1.442695020e+00, v29;
	(erf) = vpow2.f32 v12;
	v12 =	vld [tilespmem:s30+$0x8000]  }
0x90: {  	v4 =	vadd.f32 v14, v4;
	v14 =	vmul.f32 v51, v27;
	v21 =	vmul.f32 v51, v25;
	v18 =	vld [tilespmem:s30+$0x8010];
	v16, _, _ =	vpop (xrf2)  }
0x91: {  	v2 =	vadd.f32 v11, v2;
	v11 =	vpop (erf);
	(erf) = vpow2.f32 v15;
	v15 =	vld [tilespmem:s30+$0x8020];
	v16 =	vbroadcast v16, $0xF  }
0x92: {  	v22 =	vmul.f32 v52, v22;
	v10 =	vpop (erf);
	v25 =	vmul.f32 v52, v20;
	v21 =	vadd.f32 v21, v4  }
0x93: {  	(erf) = vrcp.f32 v16;
	v16 =	vadd.f32 v9, v13;
	v13 =	vmul.f32 v51, v24;
	v9 =	vpop (erf)  }
0x94: {  	v24 =	vadd.f32 v14, v2;
	v2 =	vmul.f32 v52, v26;
	v12 =	vmul.f32 $1.442695020e+00, v12;
	v14 =	vpop (erf)  }
0x95: {  	v23 =	vld [tilespmem:s30+$0x8030];
	v4 =	vmul.f32 $1.442695020e+00, v18;
	v18 =	vadd.f32 v10, v11;
	v20 =	vadd.f32 v14, v9  }
0x96: {  	v26 =	vmul.f32 v52, v19;
	v15 =	vmul.f32 $1.442695020e+00, v15;
	v19, _, _ =	vpop (xrf2)  }
0x97: {  	v27 =	vbroadcast v19, $0xF;
	v19 =	vadd.f32 v22, v24;
	v22 =	vadd.f32 v20, v18  }
0x98: {  	s31 =	simm.s32 $0x280;
	v17 =	vadd.f32 v13, v17;
	(erf) = vpow2.f32 v12;
	v13 =	vpop (erf)  }
0x99: {  	(erf) = vpow2.f32 v4;
	v4 =	vadd.f32 v2, v16;
	v2 =	vld [tilespmem:s31+$0x8000];
	v12 =	vpop (erf);
	(xrf2) =	vadd.scan.msk.f32 $0xffff, v22  }
0x9a: {  	v23 =	vmul.f32 $1.442695020e+00, v23;
	(erf) = vpow2.f32 v15;
	v15 =	vpop (erf)  }
0x9b: {  	v20 =	vld [tilespmem:s31+$0x8010];
	v18 =	vadd.f32 v25, v17;
	v16 =	vpop (erf)  }
0x9c: {  	(erf) = vpow2.f32 v23;
	v17 =	vadd.f32 v26, v21;
	v21 =	vld [tilespmem:s31+$0x8020];
	v26 =	vadd.f32 v12, v13;
	v25 =	vpop (erf)  }
0x9d: {  	s15 =	simm.s32 $0xC00;
	(erf) = vrcp.f32 v27;
	v22 =	vld [tilespmem:s31+$0x8030];
	v30 =	vadd.f32 v16, v15;
	v29 =	vmul.f32 v25, v60  }
.LBB2_4:
0x9e: {  	v2 =	vmul.f32 $1.442695020e+00, v2;
	v28 =	vmul.f32 v25, v1;
	v1 =	vmovc v5;
	v5 =	vmovc v11;
	v11 =	vmov v13  }
0x9f: {  	p0 =	sne.s32 s15, $0x1FE00;
	v24 =	vmovc v9;
	v9 =	vmovc v15;
	v27 =	vmov v8;
	v8 =	vmov v14;
	v14 =	vmov v16  }
0xa0: {  	v15 =	vmul.f32 $1.442695020e+00, v20;
	v16 =	vadd.f32 v30, v26;
	v4 =	vadd.f32 v29, v4  }
0xa1: {  	v20 =	vmul.f32 v25, v0;
	(erf) = vpow2.f32 v2;
	v13 =	vpop (erf);
	v19 =	vadd.f32 v28, v19  }
0xa2: {  	s16 =	sshra.s32 s15, $0x2;
	v0 =	vmov v7;
	v21 =	vmul.f32 $1.442695020e+00, v21;
	(erf) = vpow2.f32 v15;
	v23 =	vpop (erf);
	(xrf2) =	vadd.scan.msk.f32 $0xffff, v16  }
.Ltmp1:
0xa3: {  	v28 =	vmul.f32 v25, v3;
	v18 =	vadd.f32 v20, v18;
	v2 =	vld [tilespmem:s16+$0x8000];
	v26 =	vmul.f32 $1.442695020e+00, v22;
	v7, _, _ =	vpop (xrf2);
	(pc) =	sbr.rel @p0 .LBB2_4-.Ltmp1, $4  }
0xa4: {  	v20 =	vld [tilespmem:s16+$0x8010];
	(erf) = vpow2.f32 v21;
	v15 =	vpop (erf);
	v22 =	vbroadcast v7, $0xF;
	v7 =	vmov v10  }
0xa5: {  	v17 =	vadd.f32 v28, v17;
	v10 =	vmov v12;
	(erf) = vpow2.f32 v26;
	v16 =	vpop (erf)  }
0xa6: {  	v3 =	vmov v6;
	v12 =	vmov v23;
	v21 =	vld [tilespmem:s16+$0x8020];
	(erf) = vrcp.f32 v22;
	v25 =	vpop (erf)  }
0xa7: {  	s15 =	sadd.s32 $0x200, s15;
	v6 =	vmovc v24;
	v26 =	vadd.f32 v12, v13;
	v30 =	vadd.f32 v16, v15;
	v22 =	vld [tilespmem:s16+$0x8030];
	v29 =	vmul.f32 v25, v27  }
0xa8: {  	_ = 	snop  }
0xa9: {  	v2 =	vmul.f32 $1.442695020e+00, v2  }
0xaa: {  	v20 =	vmul.f32 $1.442695020e+00, v20  }
0xab: {  	(erf) = vpow2.f32 v2;
	v2 =	vmul.f32 $1.442695020e+00, v21  }
0xac: {  	(erf) = vpow2.f32 v20;
	v20 =	vmul.f32 $1.442695020e+00, v22  }
0xad: {  	(erf) = vpow2.f32 v2  }
0xae: {  	(erf) = vpow2.f32 v20  }
0xaf: {  	v27 =	vpop (erf)  }
0xb0: {  	v23 =	vpop (erf)  }
0xb1: {  	v24 =	vpop (erf)  }
0xb2: {  	v28 =	vpop (erf)  }
0xb3: {  	v31 =	vpop (erf)  }
0xb4: {  	v22 =	vpop (erf)  }
0xb5: {  	v21 =	vpop (erf)  }
0xb6: {  	v2 =	vadd.f32 v30, v26;
	v20 =	vpop (erf)  }
0xb7: {  	v30 =	vadd.f32 v23, v27;
	v32 =	vadd.f32 v28, v24;
	v26 =	vpop (erf)  }
0xb8: {  	v33 =	vadd.f32 v21, v22;
	v34 =	vadd.f32 v26, v20  }
0xb9: {  	v30 =	vadd.f32 v32, v30  }
0xba: {  	(xrf2) =	vadd.scan.msk.f32 $0xffff, v2;
	v2 =	vadd.f32 v34, v33  }
0xbb: {  	(xrf2) =	vadd.scan.msk.f32 $0xffff, v30  }
0xbc: {  	(xrf2) =	vadd.scan.msk.f32 $0xffff, v2;
	_ =	sdelay $0x6  }
0xbd: {  	v2, _, _ =	vpop (xrf2)  }
0xbe: {  	v30, _, _ =	vpop (xrf2);
	v2 =	vbroadcast v2, $0xF  }
0xbf: {  	v30 =	vbroadcast v30, $0xF;
	v48, _, _ =	vpop (xrf2)  }
0xc0: {  	(erf) = vrcp.f32 v2;
	v2 =	vbroadcast v48, $0xF;
	v49, _, _ =	vpop (xrf2)  }
0xc1: {  	(erf) = vrcp.f32 v30;
	v30 =	vbroadcast v49, $0xF  }
0xc2: {  	(erf) = vrcp.f32 v2  }
0xc3: {  	(erf) = vrcp.f32 v30;
	_ =	sdelay $0x5  }
0xc4: {  	v30 =	vpop (erf)  }
0xc5: {  	v50 =	vpop (erf)  }
0xc6: {  	s15 =	simm.s32 $0x0;
	v51 =	vpop (erf)  }
0xc7: {  	[tilespmem:s9], [sflag:$0x2] =	stream.linear.gather [hbm4b:s6+s15], $0x8000, $0x38;
	v52 =	vpop (erf);
	[tilespmem:$0x10080] =	vst v63  }
0xc8: {  	_ =	swait.ge [sflag:s10], $0x8000  }
0xc9: {  	[sflag:s10] =	ssyncset.done $0x0  }
0xca: {  	s25 =	simm.s32 $0x0;
	[sflag:s10] =	ssyncadd.s32 $0xFFFF8000  }
0xcb: {  	v2 =	vld [tilespmem:s25+$0x0]  }
0xcc: {  	v35 =	vld [tilespmem:s25+$0x10]  }
0xcd: {  	v36 =	vld [tilespmem:s25+$0x20];
	_ =	sdelay $0x1  }
0xce: {  	v37 =	vld [tilespmem:s25+$0x30]  }
0xcf: {  	v2 =	vmul.f32 $1.442695020e+00, v2  }
0xd0: {  	v35 =	vmul.f32 $1.442695020e+00, v35  }
0xd1: {  	(erf) = vpow2.f32 v2;
	v2 =	vmul.f32 $1.442695020e+00, v36  }
0xd2: {  	s26 =	simm.s32 $0x80;
	(erf) = vpow2.f32 v35  }
0xd3: {  	v53 =	vmul.f32 $1.442695020e+00, v37;
	(erf) = vpow2.f32 v2;
	v2 =	vld [tilespmem:s26+$0x10]  }
0xd4: {  	v54 =	vld [tilespmem:s26+$0x0]  }
0xd5: {  	(erf) = vpow2.f32 v53  }
0xd6: {  	v55 =	vld [tilespmem:s26+$0x20]  }
0xd7: {  	v56 =	vld [tilespmem:s26+$0x30]  }
0xd8: {  	v38 =	vmul.f32 v25, v1;
	v1 =	vmul.f32 $1.442695020e+00, v2  }
0xd9: {  	v36 =	vmul.f32 $1.442695020e+00, v54  }
0xda: {  	s28 =	simm.s32 $0x100;
	v0 =	vmul.f32 v25, v0  }
0xdb: {  	v58 =	vld [tilespmem:s28+$0x0];
	v35 =	vmul.f32 $1.442695020e+00, v55;
	(erf) = vpow2.f32 v36;
	v2 =	vpop (erf)  }
0xdc: {  	v57 =	vmul.f32 $1.442695020e+00, v56;
	(erf) = vpow2.f32 v1;
	v1 =	vpop (erf)  }
0xdd: {  	v29 =	vadd.f32 v29, v4;
	v59 =	vld [tilespmem:s28+$0x10];
	(erf) = vpow2.f32 v35;
	v4 =	vpop (erf)  }
0xde: {  	v18 =	vadd.f32 v0, v18;
	v0 =	vmul.f32 v25, v3;
	(erf) = vpow2.f32 v57;
	v60 =	vpop (erf)  }
0xdf: {  	v61 =	vld [tilespmem:s28+$0x20];
	v39 =	vadd.f32 v1, v2;
	v40 =	vadd.f32 v60, v4  }
0xe0: {  	v17 =	vadd.f32 v0, v17;
	v3 =	vmul.f32 v31, v8;
	v8 =	vld [tilespmem:s28+$0x30];
	v0 =	vmul.f32 $1.442695020e+00, v58  }
0xe1: {  	v5 =	vmul.f32 v31, v5;
	v7 =	vmul.f32 v31, v7;
	v25 =	vadd.f32 v40, v39  }
0xe2: {  	s29 =	simm.s32 $0x180;
	v6 =	vmul.f32 v31, v6;
	v29 =	vadd.f32 v3, v29;
	v3 =	vmul.f32 $1.442695020e+00, v59  }
0xe3: {  	v19 =	vadd.f32 v38, v19;
	v14 =	vmul.f32 v30, v14;
	v11 =	vmul.f32 v30, v11;
	v31 =	vld [tilespmem:s29+$0x0];
	(xrf2) =	vadd.scan.msk.f32 $0xffff, v25  }
0xe4: {  	v62 =	vmul.f32 $1.442695020e+00, v61;
	(erf) = vpow2.f32 v0;
	v0 =	vpop (erf)  }
0xe5: {  	v19 =	vadd.f32 v5, v19;
	v8 =	vmul.f32 $1.442695020e+00, v8;
	(erf) = vpow2.f32 v3;
	v5 =	vpop (erf)  }
0xe6: {  	v7 =	vadd.f32 v7, v18;
	v10 =	vmul.f32 v30, v10;
	(erf) = vpow2.f32 v62;
	v25 =	vld [tilespmem:s29+$0x10];
	v3 =	vpop (erf)  }
0xe7: {  	v17 =	vadd.f32 v6, v17;
	v9 =	vmul.f32 v30, v9;
	(erf) = vpow2.f32 v8;
	v8 =	vld [tilespmem:s29+$0x20];
	v6 =	vpop (erf)  }
0xe8: {  	v18 =	vmul.f32 $1.442695020e+00, v31;
	v31 =	vadd.f32 v5, v0;
	v63 =	vadd.f32 v6, v3  }
0xe9: {  	v13 =	vmul.f32 v50, v13;
	v14 =	vadd.f32 v14, v29;
	v7 =	vadd.f32 v10, v7  }
0xea: {  	v10 =	vmul.f32 v50, v16;
	v29 =	vld [tilespmem:s29+$0x30];
	(erf) = vpow2.f32 v18;
	v18 =	vadd.f32 v63, v31  }
0xeb: {  	v12 =	vmul.f32 v50, v12;
	v11 =	vadd.f32 v11, v19;
	v25 =	vmul.f32 $1.442695020e+00, v25  }
0xec: {  	v14 =	vadd.f32 v10, v14;
	v10 =	vmul.f32 v50, v15;
	v8 =	vmul.f32 $1.442695020e+00, v8;
	(xrf2) =	vadd.scan.msk.f32 $0xffff, v18  }
0xed: {  	v12 =	vadd.f32 v12, v7;
	v7 =	vmul.f32 v51, v28;
	(erf) = vpow2.f32 v25;
	v16, _, _ =	vpop (xrf2)  }
0xee: {  	s30 =	simm.s32 $0x200;
	(erf) = vpow2.f32 v8;
	v8 =	vbroadcast v16, $0xF  }
0xef: {  	v9 =	vadd.f32 v9, v17;
	v11 =	vadd.f32 v13, v11;
	v13 =	vld [tilespmem:s30+$0x0];
	v15 =	vmul.f32 $1.442695020e+00, v29  }
0xf0: {  	v19 =	vmul.f32 v51, v24;
	v18 =	vadd.f32 v7, v14;
	v14 =	vmul.f32 v51, v23;
	v16 =	vld [tilespmem:s30+$0x10]  }
0xf1: {  	v9 =	vadd.f32 v10, v9;
	v10 =	vpop (erf);
	(erf) = vpow2.f32 v15;
	v15 =	vmul.f32 v51, v27  }
0xf2: {  	v22 =	vmul.f32 v52, v22;
	(erf) = vrcp.f32 v8;
	v8 =	vpop (erf)  }
0xf3: {  	v27 =	vmul.f32 v52, v20;
	v25 =	vadd.f32 v14, v12;
	v24 =	vadd.f32 v15, v11;
	v7 =	vpop (erf)  }
0xf4: {  	v17 =	vld [tilespmem:s30+$0x20];
	v15 =	vmul.f32 v52, v26;
	v11 =	vmul.f32 $1.442695020e+00, v13;
	v26 =	vadd.f32 v19, v9;
	v14 =	vpop (erf)  }
0xf5: {  	v23 =	vld [tilespmem:s30+$0x30];
	v9 =	vmul.f32 $1.442695020e+00, v16;
	v16 =	vadd.f32 v8, v10;
	v20 =	vadd.f32 v14, v7  }
0xf6: {  	v19, _, _ =	vpop (xrf2)  }
0xf7: {  	v28 =	vbroadcast v19, $0xF;
	v19 =	vadd.f32 v22, v24;
	v22 =	vadd.f32 v20, v16  }
0xf8: {  	s31 =	simm.s32 $0x280;
	v21 =	vmul.f32 v52, v21;
	(erf) = vpow2.f32 v11;
	v12 =	vpop (erf)  }
0xf9: {  	v17 =	vmul.f32 $1.442695020e+00, v17;
	(erf) = vpow2.f32 v9;
	v9 =	vld [tilespmem:s31+$0x0];
	v11 =	vpop (erf);
	(xrf2) =	vadd.scan.msk.f32 $0xffff, v22  }
0xfa: {  	v23 =	vmul.f32 $1.442695020e+00, v23;
	v13 =	vadd.f32 v15, v18;
	v15 =	vpop (erf)  }
0xfb: {  	v18 =	vadd.f32 v21, v25;
	(erf) = vpow2.f32 v17;
	v20 =	vld [tilespmem:s31+$0x10];
	v16 =	vpop (erf)  }
0xfc: {  	v21 =	vld [tilespmem:s31+$0x20];
	v17 =	vadd.f32 v27, v26;
	(erf) = vpow2.f32 v23;
	v26 =	vadd.f32 v11, v12;
	v25 =	vpop (erf)  }
0xfd: {  	s15 =	simm.s32 $0xC00;
	(erf) = vrcp.f32 v28;
	v22 =	vld [tilespmem:s31+$0x30];
	v30 =	vadd.f32 v16, v15;
	v29 =	vmul.f32 v25, v60  }
.LBB2_6:
0xfe: {  	v9 =	vmul.f32 $1.442695020e+00, v9;
	v28 =	vmul.f32 v25, v2;
	v2 =	vmovc v0;
	v0 =	vmovc v10;
	v10 =	vmov v12  }
0xff: {  	p0 =	sne.s32 s15, $0x1FE00;
	v24 =	vmovc v7;
	v7 =	vmovc v15;
	v27 =	vmov v6;
	v6 =	vmov v14;
	v14 =	vmov v16  }
0x100: {  	v15 =	vmul.f32 $1.442695020e+00, v20;
	v16 =	vadd.f32 v30, v26;
	v13 =	vadd.f32 v29, v13  }
0x101: {  	v20 =	vmul.f32 v25, v1;
	(erf) = vpow2.f32 v9;
	v12 =	vpop (erf);
	v19 =	vadd.f32 v28, v19  }
0x102: {  	s16 =	sshra.s32 s15, $0x2;
	v1 =	vmov v5;
	v21 =	vmul.f32 $1.442695020e+00, v21;
	(erf) = vpow2.f32 v15;
	v23 =	vpop (erf);
	(xrf2) =	vadd.scan.msk.f32 $0xffff, v16  }
.Ltmp2:
0x103: {  	v28 =	vmul.f32 v25, v4;
	v18 =	vadd.f32 v20, v18;
	v9 =	vld [tilespmem:s16+$0x0];
	v26 =	vmul.f32 $1.442695020e+00, v22;
	v5, _, _ =	vpop (xrf2);
	(pc) =	sbr.rel @p0 .LBB2_6-.Ltmp2, $4  }
0x104: {  	v20 =	vld [tilespmem:s16+$0x10];
	(erf) = vpow2.f32 v21;
	v15 =	vpop (erf);
	v22 =	vbroadcast v5, $0xF;
	v5 =	vmov v8  }
0x105: {  	v17 =	vadd.f32 v28, v17;
	v8 =	vmov v11;
	(erf) = vpow2.f32 v26;
	v16 =	vpop (erf)  }
0x106: {  	v4 =	vmov v3;
	v11 =	vmov v23;
	v21 =	vld [tilespmem:s16+$0x20];
	(erf) = vrcp.f32 v22;
	v25 =	vpop (erf)  }
0x107: {  	s15 =	sadd.s32 $0x200, s15;
	v3 =	vmovc v24;
	v26 =	vadd.f32 v11, v12;
	v30 =	vadd.f32 v16, v15;
	v22 =	vld [tilespmem:s16+$0x30];
	v29 =	vmul.f32 v25, v27  }
0x108: {  	_ = 	snop  }
0x109: {  	v9 =	vmul.f32 $1.442695020e+00, v9  }
0x10a: {  	v20 =	vmul.f32 $1.442695020e+00, v20  }
0x10b: {  	(erf) = vpow2.f32 v9;
	v9 =	vmul.f32 $1.442695020e+00, v21  }
0x10c: {  	(erf) = vpow2.f32 v20;
	v20 =	vmul.f32 $1.442695020e+00, v22  }
0x10d: {  	(erf) = vpow2.f32 v9  }
0x10e: {  	(erf) = vpow2.f32 v20  }
0x10f: {  	v27 =	vpop (erf)  }
0x110: {  	v23 =	vpop (erf)  }
0x111: {  	v24 =	vpop (erf)  }
0x112: {  	v28 =	vpop (erf)  }
0x113: {  	v31 =	vpop (erf)  }
0x114: {  	v22 =	vpop (erf)  }
0x115: {  	v21 =	vpop (erf)  }
0x116: {  	v40 =	vadd.f32 v23, v27;
	v20 =	vpop (erf)  }
0x117: {  	v9 =	vadd.f32 v30, v26;
	v32 =	vadd.f32 v28, v24;
	v26 =	vpop (erf)  }
0x118: {  	v33 =	vadd.f32 v21, v22;
	v34 =	vadd.f32 v26, v20  }
0x119: {  	v30 =	vadd.f32 v32, v40  }
0x11a: {  	(xrf2) =	vadd.scan.msk.f32 $0xffff, v9;
	v9 =	vadd.f32 v34, v33  }
0x11b: {  	(xrf2) =	vadd.scan.msk.f32 $0xffff, v30  }
0x11c: {  	(xrf2) =	vadd.scan.msk.f32 $0xffff, v9;
	_ =	sdelay $0x6  }
0x11d: {  	v9, _, _ =	vpop (xrf2)  }
0x11e: {  	v41, _, _ =	vpop (xrf2);
	v9 =	vbroadcast v9, $0xF  }
0x11f: {  	v30 =	vbroadcast v41, $0xF;
	v42, _, _ =	vpop (xrf2)  }
0x120: {  	(erf) = vrcp.f32 v9;
	v9 =	vbroadcast v42, $0xF;
	v43, _, _ =	vpop (xrf2)  }
0x121: {  	(erf) = vrcp.f32 v30;
	v44 =	vbroadcast v43, $0xF  }
0x122: {  	(erf) = vrcp.f32 v9  }
0x123: {  	(erf) = vrcp.f32 v44;
	_ =	sdelay $0x5  }
0x124: {  	v45 =	vpop (erf)  }
0x125: {  	v46 =	vpop (erf)  }
0x126: {  	v47 =	vpop (erf)  }
0x127: {  	v48 =	vpop (erf)  }
0x128: {  	_ =	swait.ge [sflag:s11], $0x8000  }
0x129: {  	[sflag:s11] =	ssyncset.done $0x0  }
0x12a: {  	s15 =	simm.s32 $0x0;
	[sflag:s11] =	ssyncadd.s32 $0xFFFF8000  }
0x12b: {  	v9 =	vld [tilespmem:s15+$0x8000]  }
0x12c: {  	v35 =	vld [tilespmem:s15+$0x8010]  }
0x12d: {  	v36 =	vld [tilespmem:s15+$0x8020];
	_ =	sdelay $0x1  }
0x12e: {  	v37 =	vld [tilespmem:s15+$0x8030]  }
0x12f: {  	v9 =	vmul.f32 $1.442695020e+00, v9  }
0x130: {  	v35 =	vmul.f32 $1.442695020e+00, v35  }
0x131: {  	(erf) = vpow2.f32 v9;
	v9 =	vmul.f32 $1.442695020e+00, v36  }
0x132: {  	s26 =	simm.s32 $0x80;
	(erf) = vpow2.f32 v35  }
0x133: {  	v49 =	vmul.f32 $1.442695020e+00, v37;
	(erf) = vpow2.f32 v9;
	v9 =	vld [tilespmem:s26+$0x8010]  }
0x134: {  	v50 =	vld [tilespmem:s26+$0x8000]  }
0x135: {  	(erf) = vpow2.f32 v49;
	_ =	sdelay $0x1  }
0x136: {  	v51 =	vld [tilespmem:s26+$0x8020]  }
0x137: {  	v38 =	vmul.f32 v25, v2;
	v52 =	vld [tilespmem:s26+$0x8030];
	v9 =	vmul.f32 $1.442695020e+00, v9  }
0x138: {  	v1 =	vmul.f32 v25, v1;
	v36 =	vmul.f32 $1.442695020e+00, v50  }
0x139: {  	v4 =	vmul.f32 v25, v4;
	v29 =	vadd.f32 v29, v13;
	v6 =	vmul.f32 v31, v6  }
0x13a: {  	v19 =	vadd.f32 v38, v19;
	v0 =	vmul.f32 v31, v0;
	(erf) = vpow2.f32 v36;
	v2 =	vpop (erf)  }
0x13b: {  	s28 =	simm.s32 $0x100;
	v1 =	vadd.f32 v1, v18;
	v35 =	vmul.f32 $1.442695020e+00, v51;
	(erf) = vpow2.f32 v9;
	v9 =	vpop (erf)  }
0x13c: {  	v4 =	vadd.f32 v4, v17;
	v5 =	vmul.f32 v31, v5;
	v54 =	vld [tilespmem:s28+$0x8000];
	v53 =	vmul.f32 $1.442695020e+00, v52;
	v13 =	vpop (erf)  }
0x13d: {  	v17 =	vmul.f32 v31, v3;
	v6 =	vadd.f32 v6, v29;
	(erf) = vpow2.f32 v35;
	v56 =	vpop (erf)  }
0x13e: {  	v55 =	vld [tilespmem:s28+$0x8010];
	(erf) = vpow2.f32 v53;
	v39 =	vadd.f32 v9, v2;
	v40 =	vadd.f32 v56, v13  }
0x13f: {  	v5 =	vadd.f32 v5, v1;
	v14 =	vmul.f32 v45, v14;
	v10 =	vmul.f32 v45, v10;
	v57 =	vld [tilespmem:s28+$0x8020]  }
0x140: {  	v8 =	vmul.f32 v45, v8;
	v7 =	vmul.f32 v45, v7;
	v18 =	vld [tilespmem:s28+$0x8030];
	v25 =	vadd.f32 v40, v39  }
0x141: {  	s29 =	simm.s32 $0x180;
	v19 =	vadd.f32 v0, v19;
	v12 =	vmul.f32 v46, v12;
	v3 =	vmul.f32 $1.442695020e+00, v54  }
0x142: {  	v11 =	vmul.f32 v46, v11;
	v5 =	vadd.f32 v8, v5;
	v8 =	vmul.f32 v46, v16;
	v58 =	vld [tilespmem:s29+$0x8000];
	(xrf2) =	vadd.scan.msk.f32 $0xffff, v25  }
0x143: {  	v10 =	vadd.f32 v10, v19;
	v19 =	vmul.f32 v47, v24;
	v59 =	vmul.f32 $1.442695020e+00, v55;
	v25 =	vld [tilespmem:s29+$0x8010]  }
0x144: {  	v6 =	vadd.f32 v14, v6;
	v14 =	vld [tilespmem:s29+$0x8020];
	v60 =	vmul.f32 $1.442695020e+00, v57;
	(erf) = vpow2.f32 v3;
	v0 =	vpop (erf)  }
0x145: {  	v17 =	vadd.f32 v17, v4;
	v61 =	vld [tilespmem:s29+$0x8030];
	v18 =	vmul.f32 $1.442695020e+00, v18;
	(erf) = vpow2.f32 v59;
	v3 =	vpop (erf)  }
0x146: {  	v6 =	vadd.f32 v8, v6;
	v8 =	vmul.f32 v46, v15;
	(erf) = vpow2.f32 v60;
	v1 =	vpop (erf)  }
0x147: {  	v7 =	vadd.f32 v7, v17;
	(erf) = vpow2.f32 v18;
	v18 =	vmul.f32 $1.442695020e+00, v58;
	v4 =	vpop (erf)  }
0x148: {  	s30 =	simm.s32 $0x200;
	v62 =	vadd.f32 v3, v0;
	v63 =	vadd.f32 v4, v1;
	v25 =	vmul.f32 $1.442695020e+00, v25  }
0x149: {  	v10 =	vadd.f32 v12, v10;
	v12 =	vld [tilespmem:s30+$0x8000];
	v14 =	vmul.f32 $1.442695020e+00, v14;
	(erf) = vpow2.f32 v18  }
0x14a: {  	v15 =	vmul.f32 $1.442695020e+00, v61;
	v18 =	vadd.f32 v63, v62;
	(erf) = vpow2.f32 v25  }
0x14b: {  	v22 =	vmul.f32 v48, v22;
	v17 =	vld [tilespmem:s30+$0x8010];
	(erf) = vpow2.f32 v14  }
0x14c: {  	(xrf2) =	vadd.scan.msk.f32 $0xffff, v18;
	v18 =	vld [tilespmem:s30+$0x8020];
	(erf) = vpow2.f32 v15;
	v15 =	vadd.f32 v8, v7;
	v8 =	vmul.f32 v47, v27;
	v16, _, _ =	vpop (xrf2)  }
0x14d: {  	v11 =	vadd.f32 v11, v5;
	v5 =	vpop (erf);
	v14 =	vbroadcast v16, $0xF;
	v16 =	vmul.f32 v47, v28  }
0x14e: {  	v25 =	vmul.f32 v48, v26;
	v7 =	vpop (erf);
	v24 =	vadd.f32 v8, v10;
	v10 =	vmul.f32 $1.442695020e+00, v12  }
0x14f: {  	v19 =	vadd.f32 v19, v15;
	(erf) = vrcp.f32 v14;
	v14 =	vadd.f32 v16, v6;
	v6 =	vpop (erf)  }
0x150: {  	v12 =	vmul.f32 $1.442695020e+00, v17;
	v17 =	vadd.f32 v7, v5;
	v16 =	vmul.f32 v47, v23;
	v8 =	vpop (erf)  }
0x151: {  	v23 =	vld [tilespmem:s30+$0x8030];
	v15 =	vmul.f32 $1.442695020e+00, v18;
	(erf) = vpow2.f32 v10;
	v18 =	vadd.f32 v8, v6  }
0x152: {  	v16 =	vadd.f32 v16, v11;
	(erf) = vpow2.f32 v12;
	v12 =	vadd.f32 v25, v14  }
0x153: {  	v11 =	vpop (erf);
	v14 =	vadd.f32 v22, v24;
	v24 =	vadd.f32 v18, v17  }
0x154: {  	s31 =	simm.s32 $0x280;
	v10 =	vpop (erf)  }
0x155: {  	v26 =	vmul.f32 v48, v21;
	v21 =	vld [tilespmem:s31+$0x8000];
	(erf) = vpow2.f32 v15;
	v15 =	vpop (erf);
	(xrf2) =	vadd.scan.msk.f32 $0xffff, v24  }
0x156: {  	v20 =	vmul.f32 v48, v20;
	v23 =	vmul.f32 $1.442695020e+00, v23;
	v27, _, _ =	vpop (xrf2)  }
0x157: {  	v22 =	vld [tilespmem:s31+$0x8010];
	v16 =	vadd.f32 v26, v16;
	v25 =	vbroadcast v27, $0xF;
	v18 =	vpop (erf)  }
0x158: {  	v17 =	vadd.f32 v20, v19;
	v24 =	vld [tilespmem:s31+$0x8030];
	(erf) = vpow2.f32 v23;
	v26 =	vadd.f32 v18, v15;
	v19 =	vpop (erf)  }
0x159: {  	s15 =	simm.s32 $0xC00;
	v23 =	vld [tilespmem:s31+$0x8020];
	(erf) = vrcp.f32 v25;
	v25 =	vadd.f32 v10, v11;
	v20 =	vmul.f32 v19, v56  }
.LBB2_8:
0x15a: {  	v21 =	vmul.f32 $1.442695020e+00, v21;
	v27 =	vmul.f32 v19, v2;
	v2 =	vmovc v0;
	v0 =	vmovc v5;
	v5 =	vmov v11  }
0x15b: {  	p0 =	sne.s32 s15, $0x1FE00;
	v28 =	vmovc v6;
	v6 =	vmovc v15;
	v29 =	vmov v4;
	v4 =	vmov v8;
	v8 =	vmov v18  }
0x15c: {  	v15 =	vmul.f32 $1.442695020e+00, v22;
	v18 =	vadd.f32 v26, v25;
	v12 =	vadd.f32 v20, v12  }
0x15d: {  	v20 =	vmul.f32 v19, v9;
	(erf) = vpow2.f32 v21;
	v11 =	vpop (erf);
	v14 =	vadd.f32 v27, v14  }
0x15e: {  	s16 =	sshra.s32 s15, $0x2;
	v9 =	vmov v3;
	v23 =	vmul.f32 $1.442695020e+00, v23;
	(erf) = vpow2.f32 v15;
	v25 =	vpop (erf);
	(xrf2) =	vadd.scan.msk.f32 $0xffff, v18  }
.Ltmp3:
0x15f: {  	v26 =	vmul.f32 v19, v13;
	v16 =	vadd.f32 v20, v16;
	v21 =	vld [tilespmem:s16+$0x8000];
	v24 =	vmul.f32 $1.442695020e+00, v24;
	v3, _, _ =	vpop (xrf2);
	(pc) =	sbr.rel @p0 .LBB2_8-.Ltmp3, $4  }
0x160: {  	v22 =	vld [tilespmem:s16+$0x8010];
	(erf) = vpow2.f32 v23;
	v15 =	vpop (erf);
	v20 =	vbroadcast v3, $0xF;
	v3 =	vmov v7  }
0x161: {  	v17 =	vadd.f32 v26, v17;
	v7 =	vmov v10;
	(erf) = vpow2.f32 v24;
	v18 =	vpop (erf)  }
0x162: {  	v13 =	vmov v1;
	v10 =	vmov v25;
	v23 =	vld [tilespmem:s16+$0x8020];
	(erf) = vrcp.f32 v20;
	v19 =	vpop (erf)  }
0x163: {  	s15 =	sadd.s32 $0x200, s15;
	v1 =	vmovc v28;
	v25 =	vadd.f32 v10, v11;
	v26 =	vadd.f32 v18, v15;
	v24 =	vld [tilespmem:s16+$0x8030];
	v20 =	vmul.f32 v19, v29  }
0x164: {  	_ = 	snop  }
0x165: {  	v21 =	vmul.f32 $1.442695020e+00, v21  }
0x166: {  	v22 =	vmul.f32 $1.442695020e+00, v22  }
0x167: {  	(erf) = vpow2.f32 v21;
	v34 =	vmul.f32 $1.442695020e+00, v23  }
0x168: {  	(erf) = vpow2.f32 v22;
	v35 =	vmul.f32 $1.442695020e+00, v24  }
0x169: {  	(erf) = vpow2.f32 v34  }
0x16a: {  	(erf) = vpow2.f32 v35  }
0x16b: {  	v36 =	vpop (erf)  }
0x16c: {  	v37 =	vpop (erf)  }
0x16d: {  	v38 =	vpop (erf)  }
0x16e: {  	v39 =	vpop (erf)  }
0x16f: {  	v27 =	vpop (erf)  }
0x170: {  	v25 =	vadd.f32 v26, v25;
	v28 =	vpop (erf)  }
0x171: {  	v29 =	vadd.f32 v37, v36;
	v30 =	vadd.f32 v39, v38;
	v31 =	vpop (erf)  }
0x172: {  	v40 =	vpop (erf)  }
0x173: {  	(xrf2) =	vadd.scan.msk.f32 $0xffff, v25;
	v29 =	vadd.f32 v30, v29;
	v41 =	vpop (erf)  }
0x174: {  	v42 =	vadd.f32 v31, v28;
	v32 =	vadd.f32 v41, v40;
	_ =	sdelay $0x1  }
0x175: {  	(xrf2) =	vadd.scan.msk.f32 $0xffff, v29;
	v25 =	vadd.f32 v32, v42;
	_ =	sdelay $0x1  }
0x176: {  	(xrf2) =	vadd.scan.msk.f32 $0xffff, v25;
	_ =	sdelay $0x2  }
0x177: {  	v43, _, _ =	vpop (xrf2)  }
0x178: {  	v25 =	vbroadcast v43, $0xF  }
0x179: {  	v44, _, _ =	vpop (xrf2)  }
0x17a: {  	v45 =	vbroadcast v44, $0xF;
	(erf) = vrcp.f32 v25;
	_ =	sdelay $0x1  }
0x17b: {  	v46, _, _ =	vpop (xrf2);
	(erf) = vrcp.f32 v45  }
0x17c: {  	v29 =	vbroadcast v46, $0xF  }
0x17d: {  	v2 =	vmul.f32 v19, v2;
	v47, _, _ =	vpop (xrf2)  }
0x17e: {  	(erf) = vrcp.f32 v29;
	v25 =	vbroadcast v47, $0xF  }
0x17f: {  	v9 =	vmul.f32 v19, v9;
	v13 =	vmul.f32 v19, v13;
	v12 =	vadd.f32 v20, v12  }
0x180: {  	v2 =	vadd.f32 v2, v14;
	v4 =	vmul.f32 v27, v4;
	(erf) = vrcp.f32 v25  }
0x181: {  	v9 =	vadd.f32 v9, v16;
	v13 =	vadd.f32 v13, v17;
	v0 =	vmul.f32 v27, v0  }
0x182: {  	v3 =	vmul.f32 v27, v3;
	v1 =	vmul.f32 v27, v1;
	v4 =	vadd.f32 v4, v12;
	v48 =	vpop (erf)  }
0x183: {  	v0 =	vadd.f32 v0, v2;
	v49 =	vmul.f32 v48, v8;
	v5 =	vmul.f32 v48, v5  }
0x184: {  	v3 =	vadd.f32 v3, v9;
	v7 =	vmul.f32 v48, v7;
	v50 =	vmul.f32 v48, v6;
	v51 =	vpop (erf)  }
0x185: {  	v1 =	vadd.f32 v1, v13;
	v52 =	vmul.f32 v51, v18;
	v53 =	vmul.f32 v51, v11  }
0x186: {  	v54 =	vmul.f32 v51, v10;
	v2 =	vadd.f32 v49, v4;
	v0 =	vadd.f32 v5, v0  }
0x187: {  	v55 =	vpop (erf);
	v3 =	vadd.f32 v7, v3;
	v1 =	vadd.f32 v50, v1;
	v5 =	vmul.f32 v51, v15  }
0x188: {  	v56 =	vmul.f32 v55, v36;
	v57 =	vmul.f32 v55, v37;
	v0 =	vadd.f32 v53, v0  }
0x189: {  	v59 =	vmul.f32 v55, v38;
	v8 =	vmul.f32 v55, v39;
	v3 =	vadd.f32 v54, v3;
	v58 =	vpop (erf)  }
0x18a: {  	v1 =	vadd.f32 v5, v1;
	v0 =	vadd.f32 v56, v0;
	v60 =	vmul.f32 v58, v28  }
0x18b: {  	v2 =	vadd.f32 v52, v2;
	v3 =	vadd.f32 v57, v3;
	v61 =	vmul.f32 v58, v31  }
0x18c: {  	v1 =	vadd.f32 v59, v1;
	v62 =	vmul.f32 v58, v40;
	v0 =	vadd.f32 v60, v0  }
0x18d: {  	v2 =	vadd.f32 v8, v2;
	v5 =	vmul.f32 v58, v41;
	v3 =	vadd.f32 v61, v3  }
0x18e: {  	v1 =	vadd.f32 v62, v1;
	[tilespmem:$0x10000] =	vst v0  }
0x18f: {  	s14 =	sadd.s32 $0x1, s14;
	v63 =	vadd.f32 v5, v2;
	[tilespmem:$0x10010] =	vst v3  }
0x190: {  	p0 =	sne.s32 s14, s8;
	[tilespmem:$0x10020] =	vst v1  }
.Ltmp4:
0x191: {  	[tilespmem:$0x10030] =	vst v63;
	(pc) =	sbr.rel @p0 .LBB2_1-.Ltmp4, $4  }
0x192: {  	[hbm4b:s7+s2] =	stream.linear.scatter [tilespmem:s12], [sflag:$0x3], $0x80, $0x38;
	[tilespmem:$0x10080] =	vst v63  }
0x193: {  	_ =	swait.ge [sflag:s13], $0x80  }
0x194: {  	[sflag:s13] =	ssyncset.done $0x0  }
0x195: {  	[sflag:s13] =	ssyncadd.s32 $0xFFFFFF80  }
0x196: {  	_ =	sfence.sel $0x180000  }
0x197: {  	[bflag:$0x0] =	sbarrier.arrive $0xFFFF  }
0x198: {  	p0 =	sne.s32 s1, $0x0;
	_ =	strace $0x90000047  }
0x199: {  	s0 =	sadd.s32 @!p0 $0x100000, s0;
	[bflag:$0x2] =	sbarrier.arrive $0xFFFF  }
0x19a: {  	[sflag:s0] =	ssyncadd.tile.s32 @!p0 $0x1;
	_ =	shalt  }
.Lfunc_end2:
_tile_overlayer_lowered:
.L_overlay_start_2:
0x19b: {  	(tag) =	ssettag $0x2  }
0x19c: {  	s0 =	rddreg [dreg:$0x0];
	s2 =	stileid.u32  }
0x19d: {  	s1 =	rddreg [dreg:$0x1];
	p0 =	sne.s32 s2, $0x0  }
0x19e: {  	s3 =	rddreg [dreg:$0x2];
	[bflag:$0x3] =	sbarrier.arrive $0xFFFF;
	s2 =	simm.s32 @!p0 $0x1C03  }
0x19f: {  	[timem:s3], [sflag:s2] =	dma.local @!p0 [hbm:s0], s1  }
0x1a0: {  	s0 =	simm.s32 @!p0 $0x3  }
0x1a1: {  	_ =	swait.ge @!p0 [sflag:s0], s1  }
0x1a2: {  	s1 =	ssub.s32 @!p0 $0x0, s1;
	[sflag:s0] =	ssyncset.done @!p0 $0x0  }
0x1a3: {  	[sflag:s0] =	ssyncadd.s32 @!p0 s1  }
0x1a4: {  	[bflag:$0x3] =	sbarrier.arrive $0xFFFF  }
0x1a5: {  	_ =	shalt  }

</sc_bundles>
